<compile_context>
chip_gen: v7x
topology: tpu7x:2x2x1
jax: 0.10.2.dev20260603
libtpu: 0.0.44.dev20260713+nightly
codegen_flags: <defaults>
</compile_context>

<pallas_src>
import functools

import jax
import jax.numpy as jnp
from jax import lax
from jax.experimental import pallas as pl
from jax.experimental.pallas import tpu as pltpu
from jax.experimental.pallas import tpu_sc as plsc

B, C, T = 4, 256, 1024
K = 3
F32 = jnp.float32


def _mm(x, w):
    return lax.dot_general(x, w, (((1,), (1,)), ((), ())),
                           preferred_element_type=F32)


def _mmb(x, w):
    return lax.dot_general(x.astype(jnp.bfloat16), w.astype(jnp.bfloat16),
                           (((1,), (1,)), ((), ())),
                           preferred_element_type=F32)


_PAR = pltpu.CompilerParams(dimension_semantics=("parallel",))


def _block_diag(w, groups):
    o, ig = w.shape
    og = o // groups
    rows = jnp.arange(o)[:, None] // og
    cols = jnp.arange(groups * ig)[None, :] // ig
    return jnp.tile(w, (1, groups)) * (rows == cols).astype(w.dtype)


def _top3(x, valid_ref, b, i_ref):
    g = lax.dot_general(x, x, (((1,), (1,)), ((), ())),
                        preferred_element_type=F32)
    xx = jnp.sum(x * x, axis=1)
    pd = 2.0 * g - xx[:, None] - xx[None, :]
    pd = jnp.where(valid_ref[0] > 0.5, pd, -1e9)
    iota_c = lax.broadcasted_iota(jnp.int32, (T, T), 1)
    offs = b * T
    for j in range(K):
        m = jnp.max(pd, axis=1)
        idxj = jnp.min(jnp.where(pd == m[:, None], iota_c, T), axis=1)
        i_ref[j, 0, 0] = idxj + offs
        if j < K - 1:
            pd = jnp.where(iota_c == idxj[:, None], -jnp.inf, pd)


def _spath(yg_refs, ybp, tpi_ref, w2_ref, w3_ref, b2_ref):
    smax = None
    for j in range(K):
        s1 = jax.nn.relu(yg_refs[j][...] + ybp)
        s2 = jax.nn.relu(_mmb(s1, w2_ref[...]) + b2_ref[...])
        s3 = _mmb(s2, w3_ref[...])
        smax = s3 if smax is None else jnp.maximum(smax, s3)
    return jax.nn.relu(tpi_ref[0] + smax)


def _full(shape):
    return pl.BlockSpec(shape, lambda b: (0,) * len(shape))


def _bspec(*shape):
    return pl.BlockSpec((1,) + tuple(shape), lambda b: (b,) + (0,) * len(shape))


def _yg_specs():
    def mk(j):
        return pl.BlockSpec((T, 128), lambda b: (j * B + b, 0))
    return [mk(j) for j in range(K)]


_GW = [
    _full((128, 256)), _full((128, 128)), _full((128, 128)),
    _full((128, 128)), _full((256, 128)),
    _full((128, 256)), _full((128, 256)), _full((128, 128)),
    _full((256, 128)),
    _full((1, 128)), _full((1, 128)), _full((1, 256)), _full((1, 128)),
    _full((1, 128)),
]


def _prep_block(p):
    return (
        p['wt1'][:, :, 0],
        _block_diag(p['wt2'][:, :, 0], 32),
        _block_diag(p['wt2'][:, :, 1], 32),
        _block_diag(p['wt2'][:, :, 2], 32),
        p['wt3'][:, :, 0],
        p['ws1'][:, :C, 0, 0], p['ws1'][:, C:, 0, 0],
        _block_diag(p['ws2'][:, :, 0, 0], 32), p['ws3'][:, :, 0, 0],
        p['bt1'].reshape(1, 128), p['bt2'].reshape(1, 128),
        (p['bt3'] + p['bs3']).reshape(1, 256),
        p['bs1'].reshape(1, 128), p['bs2'].reshape(1, 128),
    )


def _block_tail(x, b, valid_ref, gw_refs, tpi_ref, ya_ref, ybp_ref, i_ref):
    (wt1, wt2a, wt2b, wt2c, wt3, wa, wbs, _w2, _w3,
     bt1, bt2, bt3, bs1, _b2) = gw_refs
    tpi_ref[0] = x + _tpath(x, wt1, (wt2a, wt2b, wt2c), wt3, bt1, bt2, bt3)
    ya_ref[0] = _mmb(x, wa[...])
    ybp_ref[0] = _mmb(x, wbs[...]) + bs1[...]
    _top3(x, valid_ref, b, i_ref)


def _tpath(x, wt1_ref, wt2_refs, wt3_ref, bt1_ref, bt2_ref, bt3_ref):
    t1 = jax.nn.relu(_mmb(x, wt1_ref[...]) + bt1_ref[...])
    z = jnp.zeros((1, 128), F32)
    t1p = jnp.concatenate([z, t1, z], axis=0)
    t2 = _mmb(t1p[0:T], wt2_refs[0][...])
    t2 += _mmb(t1p[1:T + 1], wt2_refs[1][...])
    t2 += _mmb(t1p[2:T + 2], wt2_refs[2][...])
    t2 = jax.nn.relu(t2 + bt2_ref[...])
    return _mmb(t2, wt3_ref[...]) + bt3_ref[...]


def _kp1_body(eye_ref, x_ref, valid_ref, wb0_ref, wb1_ref, wb2_ref, bb_ref,
              *rest):
    gw_refs = rest[:14]
    tpi_ref, ya_ref, ybp_ref, i_ref = rest[14:]
    b = pl.program_id(0)
    xt = lax.dot_general(eye_ref[...], x_ref[0], (((1,), (1,)), ((), ())),
                         preferred_element_type=F32)
    z = jnp.zeros((1, C), F32)
    xp = jnp.concatenate([z, xt, z], axis=0)
    acc = _mm(xp[0:T], wb0_ref[...])
    acc += _mm(xp[1:T + 1], wb1_ref[...])
    acc += _mm(xp[2:T + 2], wb2_ref[...])
    x = jax.nn.relu(acc + bb_ref[...])
    _block_tail(x, b, valid_ref, gw_refs, tpi_ref, ya_ref, ybp_ref, i_ref)


def _out_shapes():
    return [
        jax.ShapeDtypeStruct((B, T, C), F32),
        jax.ShapeDtypeStruct((B, T, 128), F32),
        jax.ShapeDtypeStruct((B, T, 128), F32),
        jax.ShapeDtypeStruct((K, B, 1, T), jnp.int32),
    ]


def _out_specs():
    return [_bspec(T, C), _bspec(T, 128), _bspec(T, 128),
            pl.BlockSpec((K, 1, 1, T), lambda b: (0, b, 0, 0))]


def _kp1(eye, snip, valid, wb0, wb1, wb2, bb, gw):
    return pl.pallas_call(
        _kp1_body,
        grid=(B,),
        in_specs=[_full((T, T)), _bspec(C, T), _bspec(1, T), _full((C, C)),
                  _full((C, C)), _full((C, C)), _full((1, C))] + _GW,
        out_specs=_out_specs(),
        out_shape=_out_shapes(),
        compiler_params=_PAR,
    )(eye, snip, valid, wb0, wb1, wb2, bb, *gw)


def _kp2_body(g0_ref, g1_ref, g2_ref, ybp1_ref, tpi1_ref, valid_ref,
              w2p_ref, w3p_ref, b2p_ref, *rest):
    gw_refs = rest[:14]
    tpi_ref, ya_ref, ybp_ref, i_ref = rest[14:]
    b = pl.program_id(0)
    x = _spath((g0_ref, g1_ref, g2_ref), ybp1_ref[0], tpi1_ref,
               w2p_ref, w3p_ref, b2p_ref)
    _block_tail(x, b, valid_ref, gw_refs, tpi_ref, ya_ref, ybp_ref, i_ref)


def _kp2(g, ybp1, tpi1, valid, w2p, w3p, b2p, gw):
    return pl.pallas_call(
        _kp2_body,
        grid=(B,),
        in_specs=_yg_specs() + [
            _bspec(T, 128), _bspec(T, C), _bspec(1, T),
            _full((128, 128)), _full((256, 128)), _full((1, 128)),
        ] + _GW,
        out_specs=_out_specs(),
        out_shape=_out_shapes(),
        compiler_params=_PAR,
    )(g, g, g, ybp1, tpi1, valid, w2p, w3p, b2p, *gw)


def _kp3_body(eye_ref, g0_ref, g1_ref, g2_ref, ybp_ref, tpi_ref,
              w2_ref, w3_ref, b2_ref, out_ref):
    x = _spath((g0_ref, g1_ref, g2_ref), ybp_ref[0], tpi_ref,
               w2_ref, w3_ref, b2_ref)
    out_ref[0] = lax.dot_general(x, eye_ref[...], (((0,), (0,)), ((), ())),
                                 preferred_element_type=F32)


def _kp3(eye, g, ybp, tpi, w2, w3, b2):
    return pl.pallas_call(
        _kp3_body,
        grid=(B,),
        in_specs=[_full((T, T))] + _yg_specs() + [
            _bspec(T, 128), _bspec(T, C),
            _full((128, 128)), _full((256, 128)), _full((1, 128)),
        ],
        out_specs=_bspec(C, T),
        out_shape=jax.ShapeDtypeStruct((B, C, T), F32),
        compiler_params=_PAR,
    )(eye, g, g, g, ybp, tpi, w2, w3, b2)


_NG = B * T * K
_D = 128


def _sc_gather(table, idx):
    info = plsc.get_sparse_core_info()
    nc, ns = info.num_cores, info.num_subcores
    nw = nc * ns
    b_per_w = _NG // nw
    mesh = plsc.VectorSubcoreMesh(core_axis_name="c", subcore_axis_name="s")

    @functools.partial(
        pl.kernel, mesh=mesh,
        out_type=jax.ShapeDtypeStruct((_NG, _D), F32),
        scratch_types=[
            pltpu.VMEM((b_per_w,), jnp.int32),
            pltpu.VMEM((b_per_w, _D), F32),
            pltpu.SemaphoreType.DMA,
        ],
    )
    def gk(table_hbm, idx_hbm, out_hbm, idx_v, rows_v, sem):
        wid = lax.axis_index("s") * nc + lax.axis_index("c")
        base = wid * b_per_w
        pltpu.sync_copy(idx_hbm.at[pl.ds(base, b_per_w)], idx_v)
        pltpu.async_copy(table_hbm.at[idx_v], rows_v, sem).wait()
        pltpu.sync_copy(rows_v, out_hbm.at[pl.ds(base, b_per_w)])

    return gk(table, idx)


def kernel(snip_feature, seg_lens, params):
    wb0 = _block_diag(params['w_b'][:, :, 0], 4)
    wb1 = _block_diag(params['w_b'][:, :, 1], 4)
    wb2 = _block_diag(params['w_b'][:, :, 2], 4)
    bb = params['b_b'].reshape(1, C)

    valid = (jnp.arange(T)[None, :] < seg_lens[:, None]).astype(F32)
    valid = valid.reshape(B, 1, T)

    g1 = _prep_block(params['g1'])
    g2 = _prep_block(params['g2'])
    eye = jnp.eye(T, dtype=F32)

    tpi1, ya1, ybp1, idx1 = _kp1(eye, snip_feature, valid, wb0, wb1, wb2,
                                 bb, g1)
    yg1 = _sc_gather(ya1.reshape(B * T, 128), idx1.reshape(-1))
    tpi2, ya2, ybp2, idx2 = _kp2(
        yg1, ybp1, tpi1, valid, g1[7], g1[8], g1[13], g2)
    yg2 = _sc_gather(ya2.reshape(B * T, 128), idx2.reshape(-1))
    return _kp3(eye, yg2, ybp2, tpi2, g2[7], g2[8], g2[13])

# --- scband reference (transcript-rebuilt; emitter-appended) ---
"""Pipeline reference for scband-snippet-gcn-31430570672688 (READ-ONLY COPY).

The authoritative reference and input builder live on the scoring server;
editing this copy changes nothing except your own understanding.
"""

import jax, jax.numpy as jnp
import numpy as np

def _p(key, shape, scale=0.05):
    return jax.random.normal(key, shape, dtype=jnp.float32) * scale

def _gcn_params(key):
    ks = jax.random.split(key, 6)
    return {'wt1': _p(ks[0], (128, 256, 1)), 'bt1': jnp.zeros((128,), jnp.float32), 'wt2': _p(ks[1], (128, 4, 3)), 'bt2': jnp.zeros((128,), jnp.float32), 'wt3': _p(ks[2], (256, 128, 1)), 'bt3': jnp.zeros((256,), jnp.float32), 'ws1': _p(ks[3], (128, 512, 1, 1)), 'bs1': jnp.zeros((128,), jnp.float32), 'ws2': _p(ks[4], (128, 4, 1, 1)), 'bs2': jnp.zeros((128,), jnp.float32), 'ws3': _p(ks[5], (256, 128, 1, 1)), 'bs3': jnp.zeros((256,), jnp.float32)}

def setup_inputs(seed: int = 0):
    key = jax.random.key(seed)
    k0, k1, k2, k3 = jax.random.split(key, 4)
    snip_feature = jax.random.normal(k0, (4, 256, 1024), dtype=jnp.float32)
    seg_lens = jax.random.randint(k1, (4,), 0, 1024)
    params = {'w_b': _p(k2, (256, 64, 3)), 'b_b': jnp.zeros((256,), jnp.float32), 'g1': _gcn_params(jax.random.fold_in(k3, 1)), 'g2': _gcn_params(jax.random.fold_in(k3, 2))}
    return {'snip_feature': snip_feature, 'seg_lens': seg_lens, 'params': params}

def conv1d(x, w, b, groups=1, padding=0):
    out = jax.lax.conv_general_dilated(x, w, (1,), [(padding, padding)], dimension_numbers=('NCH', 'OIH', 'NCH'), feature_group_count=groups)
    return out + b[None, :, None]

def conv2d(x, w, b, groups=1):
    out = jax.lax.conv_general_dilated(x, w, (1, 1), [(0, 0), (0, 0)], dimension_numbers=('NCHW', 'OIHW', 'NCHW'), feature_group_count=groups)
    return out + b[None, :, None, None]

def get_graph_feature(x, seg_lens, k):
    B, C, T = x.shape
    xt = jnp.swapaxes(x, 1, 2)
    inner = -2.0 * jnp.einsum('btc,bcs->bts', xt, x)
    xx = jnp.sum(x * x, axis=1)
    pdist = -xx[:, :, None] - inner - xx[:, None, :]
    valid = jnp.arange(T)[None, :] < seg_lens[:, None]
    pdist = jnp.where(valid[:, None, :], pdist, -1e9)
    _, idx = jax.lax.top_k(pdist, k)
    feature = jax.vmap(lambda f, i: f[i])(xt, idx)
    xe = jnp.broadcast_to(xt[:, :, None, :], feature.shape)
    feat = jnp.concatenate([feature, xe], axis=3)
    return jnp.transpose(feat, (0, 3, 1, 2)), idx

def gcnext_block(x, seg_lens, p, k=3):
    identity = x
    t = jax.nn.relu(conv1d(x, p['wt1'], p['bt1']))
    t = jax.nn.relu(conv1d(t, p['wt2'], p['bt2'], groups=32, padding=1))
    t = conv1d(t, p['wt3'], p['bt3'])
    xf, idx = get_graph_feature(x, seg_lens, k)
    s = jax.nn.relu(conv2d(xf, p['ws1'], p['bs1']))
    s = jax.nn.relu(conv2d(s, p['ws2'], p['bs2'], groups=32))
    s = conv2d(s, p['ws3'], p['bs3'])
    s = jnp.max(s, axis=-1)
    return jax.nn.relu(t + identity + s)

def _forward(snip_feature, params, seg_lens):
    x = jax.nn.relu(conv1d(snip_feature, params['w_b'], params['b_b'], groups=4, padding=1))
    x = gcnext_block(x, seg_lens, params['g1'])
    x = gcnext_block(x, seg_lens, params['g2'])
    return x

def reference(snip_feature, seg_lens, params):
    return _forward(snip_feature, params, seg_lens)

if __name__ == "__main__":
    import jax
    _d = setup_inputs()
    print(jax.jit(kernel)(*tuple(_d.values())))

</pallas_src>

<mosaic_0001>
#map = affine_map<(d0, d1) -> (0, 0)>
#map1 = affine_map<(d0, d1) -> (0)>
module attributes {stable_mosaic.version = 14 : i64} {
  func.func @gk(%arg0: i32, %arg1: i32, %arg2: memref<4096x128xf32, #tpu.memory_space<hbm>>, %arg3: memref<12288xi32, #tpu.memory_space<hbm>>, %arg4: memref<12288x128xf32, #tpu.memory_space<hbm>>, %arg5: memref<384xi32, #tpu.memory_space<vmem>>, %arg6: memref<384x128xf32, #tpu.memory_space<vmem>>, %arg7: memref<!tpu.dma_semaphore, #tpu.memory_space<semaphore_mem>>) attributes {dimension_semantics = [#tpu.dimension_semantics<core_parallel>, #tpu.dimension_semantics<subcore_parallel>], iteration_bounds = array<i64: 2, 16>, scalar_prefetch = 0 : i64, scratch_operands = 3 : i64, tpu.core_type = #tpu.core_type<sc_vector_subcore>, window_params = [{transform_indices = #map}, {transform_indices = #map1}, {transform_indices = #map}]} {
    %mul3A = arith.constant 2 : i32
    %mul3A_0 = arith.muli %arg1, %mul3A : i32
    %add3A = arith.addi %mul3A_0, %arg0 : i32
    %mul3A_1 = arith.constant 384 : i32
    %mul3A_2 = arith.muli %add3A, %mul3A_1 : i32
    "tpu.region"() ({
      %run_scoped3A = tpu.sem_alloc : memref<!tpu.dma_semaphore, #tpu.memory_space<semaphore_mem>>
      %dma_start3A_7 = tpu.memref_slice %arg3[%mul3A_2] : memref<12288xi32, #tpu.memory_space<hbm>> -> memref<384xi32, #tpu.memory_space<hbm>>
      %dma_start3A_8 = tpu.memref_slice %arg3[%mul3A_2] : memref<12288xi32, #tpu.memory_space<hbm>> -> memref<384xi32, #tpu.memory_space<hbm>>
      tpu.enqueue_dma source(%dma_start3A_8 : memref<384xi32, #tpu.memory_space<hbm>>) target(%arg5 : memref<384xi32, #tpu.memory_space<vmem>>) target_semaphore(%run_scoped3A : memref<!tpu.dma_semaphore, #tpu.memory_space<semaphore_mem>>)
      %dma_wait3A_9 = tpu.memref_slice %arg3[%mul3A_2] : memref<12288xi32, #tpu.memory_space<hbm>> -> memref<384xi32, #tpu.memory_space<hbm>>
      %dma_wait3A_10 = tpu.memref_slice %arg3[%mul3A_2] : memref<12288xi32, #tpu.memory_space<hbm>> -> memref<384xi32, #tpu.memory_space<hbm>>
      tpu.wait_dma2 semaphore(%run_scoped3A : memref<!tpu.dma_semaphore, #tpu.memory_space<semaphore_mem>>) src(%dma_wait3A_10 : memref<384xi32, #tpu.memory_space<hbm>>) dst(%arg5 : memref<384xi32, #tpu.memory_space<vmem>>)
      tpu.yield
    }) : () -> ()
    %dma_start3A = arith.constant 0 : i32
    %dma_start3A_3 = arith.constant 0 : i32
    %dma_start3A_4 = tpu.memref_slice %arg2[%dma_start3A, %dma_start3A_3] : memref<4096x128xf32, #tpu.memory_space<hbm>> -> memref<4096x128xf32, #tpu.memory_space<hbm>>
    tpu.enqueue_indirect_dma source(%dma_start3A_4 : memref<4096x128xf32, #tpu.memory_space<hbm>>) target(%arg6 : memref<384x128xf32, #tpu.memory_space<vmem>>) offsets(%arg5 : memref<384xi32, #tpu.memory_space<vmem>>) semaphore(%arg7 : memref<!tpu.dma_semaphore, #tpu.memory_space<semaphore_mem>>)
    %dma_wait3A = arith.constant 0 : i32
    %dma_wait3A_5 = arith.constant 0 : i32
    %dma_wait3A_6 = tpu.memref_slice %arg2[%dma_wait3A, %dma_wait3A_5] : memref<4096x128xf32, #tpu.memory_space<hbm>> -> memref<4096x128xf32, #tpu.memory_space<hbm>>
    tpu.wait_indirect_dma semaphore(%arg7 : memref<!tpu.dma_semaphore, #tpu.memory_space<semaphore_mem>>) src(%dma_wait3A_6 : memref<4096x128xf32, #tpu.memory_space<hbm>>) dst(%arg6 : memref<384x128xf32, #tpu.memory_space<vmem>>)
    "tpu.region"() ({
      %run_scoped3A = tpu.sem_alloc : memref<!tpu.dma_semaphore, #tpu.memory_space<semaphore_mem>>
      %dma_start3A_7 = arith.constant 0 : i32
      %dma_start3A_8 = tpu.memref_slice %arg4[%mul3A_2, %dma_start3A_7] : memref<12288x128xf32, #tpu.memory_space<hbm>> -> memref<384x128xf32, #tpu.memory_space<hbm>>
      %dma_start3A_9 = arith.constant 0 : i32
      %dma_start3A_10 = tpu.memref_slice %arg4[%mul3A_2, %dma_start3A_9] : memref<12288x128xf32, #tpu.memory_space<hbm>> -> memref<384x128xf32, #tpu.memory_space<hbm>>
      tpu.enqueue_dma source(%arg6 : memref<384x128xf32, #tpu.memory_space<vmem>>) target(%dma_start3A_10 : memref<384x128xf32, #tpu.memory_space<hbm>>) target_semaphore(%run_scoped3A : memref<!tpu.dma_semaphore, #tpu.memory_space<semaphore_mem>>)
      %dma_wait3A_11 = arith.constant 0 : i32
      %dma_wait3A_12 = tpu.memref_slice %arg4[%mul3A_2, %dma_wait3A_11] : memref<12288x128xf32, #tpu.memory_space<hbm>> -> memref<384x128xf32, #tpu.memory_space<hbm>>
      %dma_wait3A_13 = arith.constant 0 : i32
      %dma_wait3A_14 = tpu.memref_slice %arg4[%mul3A_2, %dma_wait3A_13] : memref<12288x128xf32, #tpu.memory_space<hbm>> -> memref<384x128xf32, #tpu.memory_space<hbm>>
      tpu.wait_dma2 semaphore(%run_scoped3A : memref<!tpu.dma_semaphore, #tpu.memory_space<semaphore_mem>>) src(%arg6 : memref<384x128xf32, #tpu.memory_space<vmem>>) dst(%dma_wait3A_14 : memref<384x128xf32, #tpu.memory_space<hbm>>)
      tpu.yield
    }) : () -> ()
    return
  }
}

#map = affine_map<(d0, d1) -> (0, 0)>
#map1 = affine_map<(d0, d1) -> (0)>
module attributes {stable_mosaic.version = 14 : i64} {
  func.func @gk(%arg0: i32, %arg1: i32, %arg2: memref<4096x128xf32, #tpu.memory_space<hbm>>, %arg3: memref<12288xi32, #tpu.memory_space<hbm>>, %arg4: memref<12288x128xf32, #tpu.memory_space<hbm>>, %arg5: memref<384xi32, #tpu.memory_space<vmem>>, %arg6: memref<384x128xf32, #tpu.memory_space<vmem>>, %arg7: memref<!tpu.dma_semaphore, #tpu.memory_space<semaphore_mem>>) attributes {dimension_semantics = [#tpu.dimension_semantics<core_parallel>, #tpu.dimension_semantics<subcore_parallel>], iteration_bounds = array<i64: 2, 16>, scalar_prefetch = 0 : i64, scratch_operands = 3 : i64, tpu.core_type = #tpu.core_type<sc_vector_subcore>, window_params = [{transform_indices = #map}, {transform_indices = #map1}, {transform_indices = #map}]} {
    %mul3A = arith.constant 2 : i32
    %mul3A_0 = arith.muli %arg1, %mul3A : i32
    %add3A = arith.addi %mul3A_0, %arg0 : i32
    %mul3A_1 = arith.constant 384 : i32
    %mul3A_2 = arith.muli %add3A, %mul3A_1 : i32
    "tpu.region"() ({
      %run_scoped3A = tpu.sem_alloc : memref<!tpu.dma_semaphore, #tpu.memory_space<semaphore_mem>>
      %dma_start3A_7 = tpu.memref_slice %arg3[%mul3A_2] : memref<12288xi32, #tpu.memory_space<hbm>> -> memref<384xi32, #tpu.memory_space<hbm>>
      %dma_start3A_8 = tpu.memref_slice %arg3[%mul3A_2] : memref<12288xi32, #tpu.memory_space<hbm>> -> memref<384xi32, #tpu.memory_space<hbm>>
      tpu.enqueue_dma source(%dma_start3A_8 : memref<384xi32, #tpu.memory_space<hbm>>) target(%arg5 : memref<384xi32, #tpu.memory_space<vmem>>) target_semaphore(%run_scoped3A : memref<!tpu.dma_semaphore, #tpu.memory_space<semaphore_mem>>)
      %dma_wait3A_9 = tpu.memref_slice %arg3[%mul3A_2] : memref<12288xi32, #tpu.memory_space<hbm>> -> memref<384xi32, #tpu.memory_space<hbm>>
      %dma_wait3A_10 = tpu.memref_slice %arg3[%mul3A_2] : memref<12288xi32, #tpu.memory_space<hbm>> -> memref<384xi32, #tpu.memory_space<hbm>>
      tpu.wait_dma2 semaphore(%run_scoped3A : memref<!tpu.dma_semaphore, #tpu.memory_space<semaphore_mem>>) src(%dma_wait3A_10 : memref<384xi32, #tpu.memory_space<hbm>>) dst(%arg5 : memref<384xi32, #tpu.memory_space<vmem>>)
      tpu.yield
    }) : () -> ()
    %dma_start3A = arith.constant 0 : i32
    %dma_start3A_3 = arith.constant 0 : i32
    %dma_start3A_4 = tpu.memref_slice %arg2[%dma_start3A, %dma_start3A_3] : memref<4096x128xf32, #tpu.memory_space<hbm>> -> memref<4096x128xf32, #tpu.memory_space<hbm>>
    tpu.enqueue_indirect_dma source(%dma_start3A_4 : memref<4096x128xf32, #tpu.memory_space<hbm>>) target(%arg6 : memref<384x128xf32, #tpu.memory_space<vmem>>) offsets(%arg5 : memref<384xi32, #tpu.memory_space<vmem>>) semaphore(%arg7 : memref<!tpu.dma_semaphore, #tpu.memory_space<semaphore_mem>>)
    %dma_wait3A = arith.constant 0 : i32
    %dma_wait3A_5 = arith.constant 0 : i32
    %dma_wait3A_6 = tpu.memref_slice %arg2[%dma_wait3A, %dma_wait3A_5] : memref<4096x128xf32, #tpu.memory_space<hbm>> -> memref<4096x128xf32, #tpu.memory_space<hbm>>
    tpu.wait_indirect_dma semaphore(%arg7 : memref<!tpu.dma_semaphore, #tpu.memory_space<semaphore_mem>>) src(%dma_wait3A_6 : memref<4096x128xf32, #tpu.memory_space<hbm>>) dst(%arg6 : memref<384x128xf32, #tpu.memory_space<vmem>>)
    "tpu.region"() ({
      %run_scoped3A = tpu.sem_alloc : memref<!tpu.dma_semaphore, #tpu.memory_space<semaphore_mem>>
      %dma_start3A_7 = arith.constant 0 : i32
      %dma_start3A_8 = tpu.memref_slice %arg4[%mul3A_2, %dma_start3A_7] : memref<12288x128xf32, #tpu.memory_space<hbm>> -> memref<384x128xf32, #tpu.memory_space<hbm>>
      %dma_start3A_9 = arith.constant 0 : i32
      %dma_start3A_10 = tpu.memref_slice %arg4[%mul3A_2, %dma_start3A_9] : memref<12288x128xf32, #tpu.memory_space<hbm>> -> memref<384x128xf32, #tpu.memory_space<hbm>>
      tpu.enqueue_dma source(%arg6 : memref<384x128xf32, #tpu.memory_space<vmem>>) target(%dma_start3A_10 : memref<384x128xf32, #tpu.memory_space<hbm>>) target_semaphore(%run_scoped3A : memref<!tpu.dma_semaphore, #tpu.memory_space<semaphore_mem>>)
      %dma_wait3A_11 = arith.constant 0 : i32
      %dma_wait3A_12 = tpu.memref_slice %arg4[%mul3A_2, %dma_wait3A_11] : memref<12288x128xf32, #tpu.memory_space<hbm>> -> memref<384x128xf32, #tpu.memory_space<hbm>>
      %dma_wait3A_13 = arith.constant 0 : i32
      %dma_wait3A_14 = tpu.memref_slice %arg4[%mul3A_2, %dma_wait3A_13] : memref<12288x128xf32, #tpu.memory_space<hbm>> -> memref<384x128xf32, #tpu.memory_space<hbm>>
      tpu.wait_dma2 semaphore(%run_scoped3A : memref<!tpu.dma_semaphore, #tpu.memory_space<semaphore_mem>>) src(%arg6 : memref<384x128xf32, #tpu.memory_space<vmem>>) dst(%dma_wait3A_14 : memref<384x128xf32, #tpu.memory_space<hbm>>)
      tpu.yield
    }) : () -> ()
    return
  }
}

module attributes {stable_mosaic.version = 14 : i64} {
  func.func @_kp1_body(%arg0: i32, %arg1: memref<1024x1024xf32, #tpu.memory_space<vmem>>, %arg2: memref<1x256x1024xf32, #tpu.memory_space<vmem>>, %arg3: memref<1x1x1024xf32, #tpu.memory_space<vmem>>, %arg4: memref<256x256xf32, #tpu.memory_space<vmem>>, %arg5: memref<256x256xf32, #tpu.memory_space<vmem>>, %arg6: memref<256x256xf32, #tpu.memory_space<vmem>>, %arg7: memref<1x256xf32, #tpu.memory_space<vmem>>, %arg8: memref<128x256xf32, #tpu.memory_space<vmem>>, %arg9: memref<128x128xf32, #tpu.memory_space<vmem>>, %arg10: memref<128x128xf32, #tpu.memory_space<vmem>>, %arg11: memref<128x128xf32, #tpu.memory_space<vmem>>, %arg12: memref<256x128xf32, #tpu.memory_space<vmem>>, %arg13: memref<128x256xf32, #tpu.memory_space<vmem>>, %arg14: memref<128x256xf32, #tpu.memory_space<vmem>>, %arg15: memref<128x128xf32, #tpu.memory_space<vmem>>, %arg16: memref<256x128xf32, #tpu.memory_space<vmem>>, %arg17: memref<1x128xf32, #tpu.memory_space<vmem>>, %arg18: memref<1x128xf32, #tpu.memory_space<vmem>>, %arg19: memref<1x256xf32, #tpu.memory_space<vmem>>, %arg20: memref<1x128xf32, #tpu.memory_space<vmem>>, %arg21: memref<1x128xf32, #tpu.memory_space<vmem>>, %arg22: memref<1x1024x256xf32, #tpu.memory_space<vmem>>, %arg23: memref<1x1024x128xf32, #tpu.memory_space<vmem>>, %arg24: memref<1x1024x128xf32, #tpu.memory_space<vmem>>, %arg25: memref<3x1x1x1024xi32, #tpu.memory_space<vmem>>) attributes {dimension_semantics = [#tpu.dimension_semantics<parallel>], iteration_bounds = array<i64: 4>, scalar_prefetch = 0 : i64, scratch_operands = 0 : i64, tpu.core_type = #tpu.core_type<tc>, window_params = [{pipeline_mode = #tpu.pipeline_mode<synchronous>, transform_indices = @transform_0, window_bounds = array<i64: 1024, 1024>}, {transform_indices = @transform_1, window_bounds = array<i64: 1, 256, 1024>}, {transform_indices = @transform_2, window_bounds = array<i64: 1, 1, 1024>}, {pipeline_mode = #tpu.pipeline_mode<synchronous>, transform_indices = @transform_3, window_bounds = array<i64: 256, 256>}, {pipeline_mode = #tpu.pipeline_mode<synchronous>, transform_indices = @transform_4, window_bounds = array<i64: 256, 256>}, {pipeline_mode = #tpu.pipeline_mode<synchronous>, transform_indices = @transform_5, window_bounds = array<i64: 256, 256>}, {pipeline_mode = #tpu.pipeline_mode<synchronous>, transform_indices = @transform_6, window_bounds = array<i64: 1, 256>}, {pipeline_mode = #tpu.pipeline_mode<synchronous>, transform_indices = @transform_7, window_bounds = array<i64: 128, 256>}, {pipeline_mode = #tpu.pipeline_mode<synchronous>, transform_indices = @transform_8, window_bounds = array<i64: 128, 128>}, {pipeline_mode = #tpu.pipeline_mode<synchronous>, transform_indices = @transform_9, window_bounds = array<i64: 128, 128>}, {pipeline_mode = #tpu.pipeline_mode<synchronous>, transform_indices = @transform_10, window_bounds = array<i64: 128, 128>}, {pipeline_mode = #tpu.pipeline_mode<synchronous>, transform_indices = @transform_11, window_bounds = array<i64: 256, 128>}, {pipeline_mode = #tpu.pipeline_mode<synchronous>, transform_indices = @transform_12, window_bounds = array<i64: 128, 256>}, {pipeline_mode = #tpu.pipeline_mode<synchronous>, transform_indices = @transform_13, window_bounds = array<i64: 128, 256>}, {pipeline_mode = #tpu.pipeline_mode<synchronous>, transform_indices = @transform_14, window_bounds = array<i64: 128, 128>}, {pipeline_mode = #tpu.pipeline_mode<synchronous>, transform_indices = @transform_15, window_bounds = array<i64: 256, 128>}, {pipeline_mode = #tpu.pipeline_mode<synchronous>, transform_indices = @transform_16, window_bounds = array<i64: 1, 128>}, {pipeline_mode = #tpu.pipeline_mode<synchronous>, transform_indices = @transform_17, window_bounds = array<i64: 1, 128>}, {pipeline_mode = #tpu.pipeline_mode<synchronous>, transform_indices = @transform_18, window_bounds = array<i64: 1, 256>}, {pipeline_mode = #tpu.pipeline_mode<synchronous>, transform_indices = @transform_19, window_bounds = array<i64: 1, 128>}, {pipeline_mode = #tpu.pipeline_mode<synchronous>, transform_indices = @transform_20, window_bounds = array<i64: 1, 128>}, {transform_indices = @transform_21, window_bounds = array<i64: 1, 1024, 256>}, {transform_indices = @transform_22, window_bounds = array<i64: 1, 1024, 128>}, {transform_indices = @transform_23, window_bounds = array<i64: 1, 1024, 128>}, {transform_indices = @transform_24, window_bounds = array<i64: 3, 1, 1, 1024>}]} {
    %get3A = arith.constant 0 : index
    %get3A_0 = arith.constant 0 : index
    %get3A_1 = vector.load %arg1[%get3A, %get3A_0] : memref<1024x1024xf32, #tpu.memory_space<vmem>>, vector<1024x1024xf32>
    %get3A_2 = arith.constant 0 : index
    %get3A_3 = arith.constant 0 : index
    %get3A_4 = arith.constant 0 : index
    %get3A_5 = vector.load %arg2[%get3A_2, %get3A_3, %get3A_4] : memref<1x256x1024xf32, #tpu.memory_space<vmem>>, vector<1x256x1024xf32>
    %get3A_6 = vector.shape_cast %get3A_5 : vector<1x256x1024xf32> to vector<256x1024xf32>
    %dot_general3A = arith.constant dense<0.000000e+00> : vector<1024x256xf32>
    %dot_general3A_7 = tpu.matmul %get3A_1, %get3A_6, %dot_general3A {dimension_numbers = #tpu.dot_dimension_numbers<[1], [1], [0], [0], [0, 0, 1, 0], [], []>, transpose_lhs_hint = false} : vector<1024x1024xf32>, vector<256x1024xf32>, vector<1024x256xf32> -> vector<1024x256xf32>
    %broadcast_in_dim3A = arith.constant 0.000000e+00 : f32
    %broadcast_in_dim3A_8 = vector.broadcast %broadcast_in_dim3A : f32 to vector<1x256xf32>
    %concatenate3A = tpu.concatenate %broadcast_in_dim3A_8, %dot_general3A_7, %broadcast_in_dim3A_8 in 0 : vector<1x256xf32>, vector<1024x256xf32>, vector<1x256xf32> -> vector<1026x256xf32>
    %slice3A = vector.extract_strided_slice %concatenate3A {offsets = [0, 0], sizes = [1024, 256], strides = [1, 1]} : vector<1026x256xf32> to vector<1024x256xf32>
    %get3A_9 = arith.constant 0 : index
    %get3A_10 = arith.constant 0 : index
    %get3A_11 = vector.load %arg4[%get3A_9, %get3A_10] : memref<256x256xf32, #tpu.memory_space<vmem>>, vector<256x256xf32>
    %dot_general3A_12 = arith.constant dense<0.000000e+00> : vector<1024x256xf32>
    %dot_general3A_13 = tpu.matmul %slice3A, %get3A_11, %dot_general3A_12 {dimension_numbers = #tpu.dot_dimension_numbers<[1], [1], [0], [0], [0, 0, 1, 0], [], []>, transpose_lhs_hint = false} : vector<1024x256xf32>, vector<256x256xf32>, vector<1024x256xf32> -> vector<1024x256xf32>
    %slice3A_14 = vector.extract_strided_slice %concatenate3A {offsets = [1, 0], sizes = [1024, 256], strides = [1, 1]} : vector<1026x256xf32> to vector<1024x256xf32>
    %get3A_15 = arith.constant 0 : index
    %get3A_16 = arith.constant 0 : index
    %get3A_17 = vector.load %arg5[%get3A_15, %get3A_16] : memref<256x256xf32, #tpu.memory_space<vmem>>, vector<256x256xf32>
    %dot_general3A_18 = arith.constant dense<0.000000e+00> : vector<1024x256xf32>
    %dot_general3A_19 = tpu.matmul %slice3A_14, %get3A_17, %dot_general3A_18 {dimension_numbers = #tpu.dot_dimension_numbers<[1], [1], [0], [0], [0, 0, 1, 0], [], []>, transpose_lhs_hint = false} : vector<1024x256xf32>, vector<256x256xf32>, vector<1024x256xf32> -> vector<1024x256xf32>
    %add3A = arith.addf %dot_general3A_13, %dot_general3A_19 : vector<1024x256xf32>
    %slice3A_20 = vector.extract_strided_slice %concatenate3A {offsets = [2, 0], sizes = [1024, 256], strides = [1, 1]} : vector<1026x256xf32> to vector<1024x256xf32>
    %get3A_21 = arith.constant 0 : index
    %get3A_22 = arith.constant 0 : index
    %get3A_23 = vector.load %arg6[%get3A_21, %get3A_22] : memref<256x256xf32, #tpu.memory_space<vmem>>, vector<256x256xf32>
    %dot_general3A_24 = arith.constant dense<0.000000e+00> : vector<1024x256xf32>
    %dot_general3A_25 = tpu.matmul %slice3A_20, %get3A_23, %dot_general3A_24 {dimension_numbers = #tpu.dot_dimension_numbers<[1], [1], [0], [0], [0, 0, 1, 0], [], []>, transpose_lhs_hint = false} : vector<1024x256xf32>, vector<256x256xf32>, vector<1024x256xf32> -> vector<1024x256xf32>
    %add3A_26 = arith.addf %add3A, %dot_general3A_25 : vector<1024x256xf32>
    %get3A_27 = arith.constant 0 : index
    %get3A_28 = arith.constant 0 : index
    %get3A_29 = vector.load %arg7[%get3A_27, %get3A_28] : memref<1x256xf32, #tpu.memory_space<vmem>>, vector<1x256xf32>
    %add3A_30 = vector.broadcast %get3A_29 : vector<1x256xf32> to vector<1024x256xf32>
    %add3A_31 = arith.addf %add3A_26, %add3A_30 : vector<1024x256xf32>
    %max3A = arith.constant 0.000000e+00 : f32
    %max3A_32 = vector.broadcast %max3A : f32 to vector<1024x256xf32>
    %max3A_33 = arith.maximumf %add3A_31, %max3A_32 : vector<1024x256xf32>
    %get3A_34 = arith.constant 0 : index
    %get3A_35 = arith.constant 0 : index
    %get3A_36 = vector.load %arg8[%get3A_34, %get3A_35] : memref<128x256xf32, #tpu.memory_space<vmem>>, vector<128x256xf32>
    %convert_element_type3A = arith.truncf %max3A_33 : vector<1024x256xf32> to vector<1024x256xbf16>
    %convert_element_type3A_37 = arith.truncf %get3A_36 : vector<128x256xf32> to vector<128x256xbf16>
    %dot_general3A_38 = arith.constant dense<0.000000e+00> : vector<1024x128xf32>
    %dot_general3A_39 = tpu.matmul %convert_element_type3A, %convert_element_type3A_37, %dot_general3A_38 {dimension_numbers = #tpu.dot_dimension_numbers<[1], [1], [0], [0], [0, 0, 1, 0], [], []>, transpose_lhs_hint = false} : vector<1024x256xbf16>, vector<128x256xbf16>, vector<1024x128xf32> -> vector<1024x128xf32>
    %get3A_40 = arith.constant 0 : index
    %get3A_41 = arith.constant 0 : index
    %get3A_42 = vector.load %arg17[%get3A_40, %get3A_41] : memref<1x128xf32, #tpu.memory_space<vmem>>, vector<1x128xf32>
    %add3A_43 = vector.broadcast %get3A_42 : vector<1x128xf32> to vector<1024x128xf32>
    %add3A_44 = arith.addf %dot_general3A_39, %add3A_43 : vector<1024x128xf32>
    %max3A_45 = arith.constant 0.000000e+00 : f32
    %max3A_46 = vector.broadcast %max3A_45 : f32 to vector<1024x128xf32>
    %max3A_47 = arith.maximumf %add3A_44, %max3A_46 : vector<1024x128xf32>
    %broadcast_in_dim3A_48 = arith.constant 0.000000e+00 : f32
    %broadcast_in_dim3A_49 = vector.broadcast %broadcast_in_dim3A_48 : f32 to vector<1x128xf32>
    %concatenate3A_50 = tpu.concatenate %broadcast_in_dim3A_49, %max3A_47, %broadcast_in_dim3A_49 in 0 : vector<1x128xf32>, vector<1024x128xf32>, vector<1x128xf32> -> vector<1026x128xf32>
    %slice3A_51 = vector.extract_strided_slice %concatenate3A_50 {offsets = [0, 0], sizes = [1024, 128], strides = [1, 1]} : vector<1026x128xf32> to vector<1024x128xf32>
    %get3A_52 = arith.constant 0 : index
    %get3A_53 = arith.constant 0 : index
    %get3A_54 = vector.load %arg9[%get3A_52, %get3A_53] : memref<128x128xf32, #tpu.memory_space<vmem>>, vector<128x128xf32>
    %convert_element_type3A_55 = arith.truncf %slice3A_51 : vector<1024x128xf32> to vector<1024x128xbf16>
    %convert_element_type3A_56 = arith.truncf %get3A_54 : vector<128x128xf32> to vector<128x128xbf16>
    %dot_general3A_57 = arith.constant dense<0.000000e+00> : vector<1024x128xf32>
    %dot_general3A_58 = tpu.matmul %convert_element_type3A_55, %convert_element_type3A_56, %dot_general3A_57 {dimension_numbers = #tpu.dot_dimension_numbers<[1], [1], [0], [0], [0, 0, 1, 0], [], []>, transpose_lhs_hint = false} : vector<1024x128xbf16>, vector<128x128xbf16>, vector<1024x128xf32> -> vector<1024x128xf32>
    %slice3A_59 = vector.extract_strided_slice %concatenate3A_50 {offsets = [1, 0], sizes = [1024, 128], strides = [1, 1]} : vector<1026x128xf32> to vector<1024x128xf32>
    %get3A_60 = arith.constant 0 : index
    %get3A_61 = arith.constant 0 : index
    %get3A_62 = vector.load %arg10[%get3A_60, %get3A_61] : memref<128x128xf32, #tpu.memory_space<vmem>>, vector<128x128xf32>
    %convert_element_type3A_63 = arith.truncf %slice3A_59 : vector<1024x128xf32> to vector<1024x128xbf16>
    %convert_element_type3A_64 = arith.truncf %get3A_62 : vector<128x128xf32> to vector<128x128xbf16>
    %dot_general3A_65 = arith.constant dense<0.000000e+00> : vector<1024x128xf32>
    %dot_general3A_66 = tpu.matmul %convert_element_type3A_63, %convert_element_type3A_64, %dot_general3A_65 {dimension_numbers = #tpu.dot_dimension_numbers<[1], [1], [0], [0], [0, 0, 1, 0], [], []>, transpose_lhs_hint = false} : vector<1024x128xbf16>, vector<128x128xbf16>, vector<1024x128xf32> -> vector<1024x128xf32>
    %add3A_67 = arith.addf %dot_general3A_58, %dot_general3A_66 : vector<1024x128xf32>
    %slice3A_68 = vector.extract_strided_slice %concatenate3A_50 {offsets = [2, 0], sizes = [1024, 128], strides = [1, 1]} : vector<1026x128xf32> to vector<1024x128xf32>
    %get3A_69 = arith.constant 0 : index
    %get3A_70 = arith.constant 0 : index
    %get3A_71 = vector.load %arg11[%get3A_69, %get3A_70] : memref<128x128xf32, #tpu.memory_space<vmem>>, vector<128x128xf32>
    %convert_element_type3A_72 = arith.truncf %slice3A_68 : vector<1024x128xf32> to vector<1024x128xbf16>
    %convert_element_type3A_73 = arith.truncf %get3A_71 : vector<128x128xf32> to vector<128x128xbf16>
    %dot_general3A_74 = arith.constant dense<0.000000e+00> : vector<1024x128xf32>
    %dot_general3A_75 = tpu.matmul %convert_element_type3A_72, %convert_element_type3A_73, %dot_general3A_74 {dimension_numbers = #tpu.dot_dimension_numbers<[1], [1], [0], [0], [0, 0, 1, 0], [], []>, transpose_lhs_hint = false} : vector<1024x128xbf16>, vector<128x128xbf16>, vector<1024x128xf32> -> vector<1024x128xf32>
    %add3A_76 = arith.addf %add3A_67, %dot_general3A_75 : vector<1024x128xf32>
    %get3A_77 = arith.constant 0 : index
    %get3A_78 = arith.constant 0 : index
    %get3A_79 = vector.load %arg18[%get3A_77, %get3A_78] : memref<1x128xf32, #tpu.memory_space<vmem>>, vector<1x128xf32>
    %add3A_80 = vector.broadcast %get3A_79 : vector<1x128xf32> to vector<1024x128xf32>
    %add3A_81 = arith.addf %add3A_76, %add3A_80 : vector<1024x128xf32>
    %max3A_82 = arith.constant 0.000000e+00 : f32
    %max3A_83 = vector.broadcast %max3A_82 : f32 to vector<1024x128xf32>
    %max3A_84 = arith.maximumf %add3A_81, %max3A_83 : vector<1024x128xf32>
    %get3A_85 = arith.constant 0 : index
    %get3A_86 = arith.constant 0 : index
    %get3A_87 = vector.load %arg12[%get3A_85, %get3A_86] : memref<256x128xf32, #tpu.memory_space<vmem>>, vector<256x128xf32>
    %convert_element_type3A_88 = arith.truncf %max3A_84 : vector<1024x128xf32> to vector<1024x128xbf16>
    %convert_element_type3A_89 = arith.truncf %get3A_87 : vector<256x128xf32> to vector<256x128xbf16>
    %dot_general3A_90 = arith.constant dense<0.000000e+00> : vector<1024x256xf32>
    %dot_general3A_91 = tpu.matmul %convert_element_type3A_88, %convert_element_type3A_89, %dot_general3A_90 {dimension_numbers = #tpu.dot_dimension_numbers<[1], [1], [0], [0], [0, 0, 1, 0], [], []>, transpose_lhs_hint = false} : vector<1024x128xbf16>, vector<256x128xbf16>, vector<1024x256xf32> -> vector<1024x256xf32>
    %get3A_92 = arith.constant 0 : index
    %get3A_93 = arith.constant 0 : index
    %get3A_94 = vector.load %arg19[%get3A_92, %get3A_93] : memref<1x256xf32, #tpu.memory_space<vmem>>, vector<1x256xf32>
    %add3A_95 = vector.broadcast %get3A_94 : vector<1x256xf32> to vector<1024x256xf32>
    %add3A_96 = arith.addf %dot_general3A_91, %add3A_95 : vector<1024x256xf32>
    %add3A_97 = arith.addf %max3A_33, %add3A_96 : vector<1024x256xf32>
    %swap3A = arith.constant 0 : index
    %swap3A_98 = arith.constant 0 : index
    %swap3A_99 = arith.constant 0 : index
    %swap3A_100 = vector.load %arg22[%swap3A, %swap3A_98, %swap3A_99] : memref<1x1024x256xf32, #tpu.memory_space<vmem>>, vector<1x1024x256xf32>
    %swap3A_101 = vector.shape_cast %swap3A_100 : vector<1x1024x256xf32> to vector<1024x256xf32>
    %swap3A_102 = vector.shape_cast %add3A_97 : vector<1024x256xf32> to vector<1x1024x256xf32>
    tpu.vector_store %arg22[%swap3A, %swap3A_98, %swap3A_99], %swap3A_102 {strides = array<i32>} : memref<1x1024x256xf32, #tpu.memory_space<vmem>>, vector<1x1024x256xf32>,
    %get3A_103 = arith.constant 0 : index
    %get3A_104 = arith.constant 0 : index
    %get3A_105 = vector.load %arg13[%get3A_103, %get3A_104] : memref<128x256xf32, #tpu.memory_space<vmem>>, vector<128x256xf32>
    %convert_element_type3A_106 = arith.truncf %max3A_33 : vector<1024x256xf32> to vector<1024x256xbf16>
    %convert_element_type3A_107 = arith.truncf %get3A_105 : vector<128x256xf32> to vector<128x256xbf16>
    %dot_general3A_108 = arith.constant dense<0.000000e+00> : vector<1024x128xf32>
    %dot_general3A_109 = tpu.matmul %convert_element_type3A_106, %convert_element_type3A_107, %dot_general3A_108 {dimension_numbers = #tpu.dot_dimension_numbers<[1], [1], [0], [0], [0, 0, 1, 0], [], []>, transpose_lhs_hint = false} : vector<1024x256xbf16>, vector<128x256xbf16>, vector<1024x128xf32> -> vector<1024x128xf32>
    %swap3A_110 = arith.constant 0 : index
    %swap3A_111 = arith.constant 0 : index
    %swap3A_112 = arith.constant 0 : index
    %swap3A_113 = vector.load %arg23[%swap3A_110, %swap3A_111, %swap3A_112] : memref<1x1024x128xf32, #tpu.memory_space<vmem>>, vector<1x1024x128xf32>
    %swap3A_114 = vector.shape_cast %swap3A_113 : vector<1x1024x128xf32> to vector<1024x128xf32>
    %swap3A_115 = vector.shape_cast %dot_general3A_109 : vector<1024x128xf32> to vector<1x1024x128xf32>
    tpu.vector_store %arg23[%swap3A_110, %swap3A_111, %swap3A_112], %swap3A_115 {strides = array<i32>} : memref<1x1024x128xf32, #tpu.memory_space<vmem>>, vector<1x1024x128xf32>,
    %get3A_116 = arith.constant 0 : index
    %get3A_117 = arith.constant 0 : index
    %get3A_118 = vector.load %arg14[%get3A_116, %get3A_117] : memref<128x256xf32, #tpu.memory_space<vmem>>, vector<128x256xf32>
    %convert_element_type3A_119 = arith.truncf %max3A_33 : vector<1024x256xf32> to vector<1024x256xbf16>
    %convert_element_type3A_120 = arith.truncf %get3A_118 : vector<128x256xf32> to vector<128x256xbf16>
    %dot_general3A_121 = arith.constant dense<0.000000e+00> : vector<1024x128xf32>
    %dot_general3A_122 = tpu.matmul %convert_element_type3A_119, %convert_element_type3A_120, %dot_general3A_121 {dimension_numbers = #tpu.dot_dimension_numbers<[1], [1], [0], [0], [0, 0, 1, 0], [], []>, transpose_lhs_hint = false} : vector<1024x256xbf16>, vector<128x256xbf16>, vector<1024x128xf32> -> vector<1024x128xf32>
    %get3A_123 = arith.constant 0 : index
    %get3A_124 = arith.constant 0 : index
    %get3A_125 = vector.load %arg20[%get3A_123, %get3A_124] : memref<1x128xf32, #tpu.memory_space<vmem>>, vector<1x128xf32>
    %add3A_126 = vector.broadcast %get3A_125 : vector<1x128xf32> to vector<1024x128xf32>
    %add3A_127 = arith.addf %dot_general3A_122, %add3A_126 : vector<1024x128xf32>
    %swap3A_128 = arith.constant 0 : index
    %swap3A_129 = arith.constant 0 : index
    %swap3A_130 = arith.constant 0 : index
    %swap3A_131 = vector.load %arg24[%swap3A_128, %swap3A_129, %swap3A_130] : memref<1x1024x128xf32, #tpu.memory_space<vmem>>, vector<1x1024x128xf32>
    %swap3A_132 = vector.shape_cast %swap3A_131 : vector<1x1024x128xf32> to vector<1024x128xf32>
    %swap3A_133 = vector.shape_cast %add3A_127 : vector<1024x128xf32> to vector<1x1024x128xf32>
    tpu.vector_store %arg24[%swap3A_128, %swap3A_129, %swap3A_130], %swap3A_133 {strides = array<i32>} : memref<1x1024x128xf32, #tpu.memory_space<vmem>>, vector<1x1024x128xf32>,
    %dot_general3A_134 = arith.constant dense<0.000000e+00> : vector<1024x1024xf32>
    %dot_general3A_135 = tpu.matmul %max3A_33, %max3A_33, %dot_general3A_134 {dimension_numbers = #tpu.dot_dimension_numbers<[1], [1], [0], [0], [0, 0, 1, 0], [], []>, transpose_lhs_hint = false} : vector<1024x256xf32>, vector<1024x256xf32>, vector<1024x1024xf32> -> vector<1024x1024xf32>
    %mul3A = arith.mulf %max3A_33, %max3A_33 : vector<1024x256xf32>
    %reduce_sum3A = arith.constant dense<0.000000e+00> : vector<1024xf32>
    %reduce_sum3A_136 = vector.multi_reduction <add>, %mul3A, %reduce_sum3A [1] : vector<1024x256xf32> to vector<1024xf32>
    %mul3A_137 = arith.constant 2.000000e+00 : f32
    %mul3A_138 = vector.broadcast %mul3A_137 : f32 to vector<1024x1024xf32>
    %mul3A_139 = arith.mulf %mul3A_138, %dot_general3A_135 : vector<1024x1024xf32>
    %broadcast_in_dim3A_140 = vector.shape_cast %reduce_sum3A_136 : vector<1024xf32> to vector<1024x1xf32>
    %sub3A = vector.broadcast %broadcast_in_dim3A_140 : vector<1024x1xf32> to vector<1024x1024xf32>
    %sub3A_141 = arith.subf %mul3A_139, %sub3A : vector<1024x1024xf32>
    %broadcast_in_dim3A_142 = vector.shape_cast %reduce_sum3A_136 : vector<1024xf32> to vector<1x1024xf32>
    %sub3A_143 = vector.broadcast %broadcast_in_dim3A_142 : vector<1x1024xf32> to vector<1024x1024xf32>
    %sub3A_144 = arith.subf %sub3A_141, %sub3A_143 : vector<1024x1024xf32>
    %get3A_145 = arith.constant 0 : index
    %get3A_146 = arith.constant 0 : index
    %get3A_147 = arith.constant 0 : index
    %get3A_148 = vector.load %arg3[%get3A_145, %get3A_146, %get3A_147] : memref<1x1x1024xf32, #tpu.memory_space<vmem>>, vector<1x1x1024xf32>
    %get3A_149 = vector.shape_cast %get3A_148 : vector<1x1x1024xf32> to vector<1x1024xf32>
    %gt3A = arith.constant 5.000000e-01 : f32
    %gt3A_150 = vector.broadcast %gt3A : f32 to vector<1x1024xf32>
    %gt3A_151 = arith.cmpf ogt, %get3A_149, %gt3A_150 : vector<1x1024xf32>
    %jit3A = arith.constant -1.000000e+09 : f32
    %broadcast_in_dim3A_152 = vector.shape_cast %gt3A_151 : vector<1x1024xi1> to vector<1x1024xi1>
    %broadcast_in_dim3A_153 = vector.broadcast %broadcast_in_dim3A_152 : vector<1x1024xi1> to vector<1024x1024xi1>
    %broadcast_in_dim3A_154 = vector.broadcast %jit3A : f32 to vector<1024x1024xf32>
    %select_n3A = arith.select %broadcast_in_dim3A_153, %sub3A_144, %broadcast_in_dim3A_154 : vector<1024x1024xi1>, vector<1024x1024xf32>
    %iota3A = tpu.iota {dimensions = array<i32: 1>} : vector<1024x1024xi32>
    %mul3A_155 = arith.constant 1024 : i32
    %mul3A_156 = arith.muli %arg0, %mul3A_155 : i32
    %reduce_max3A = arith.constant dense<0xFF800000> : vector<1024xf32>
    %reduce_max3A_157 = vector.multi_reduction <maximumf>, %select_n3A, %reduce_max3A [1] : vector<1024x1024xf32> to vector<1024xf32>
    %broadcast_in_dim3A_158 = vector.shape_cast %reduce_max3A_157 : vector<1024xf32> to vector<1024x1xf32>
    %eq3A = vector.broadcast %broadcast_in_dim3A_158 : vector<1024x1xf32> to vector<1024x1024xf32>
    %eq3A_159 = arith.cmpf oeq, %select_n3A, %eq3A : vector<1024x1024xf32>
    %jit3A_160 = arith.constant 1024 : i32
    %broadcast_in_dim3A_161 = vector.broadcast %jit3A_160 : i32 to vector<1024x1024xi32>
    %select_n3A_162 = arith.select %eq3A_159, %iota3A, %broadcast_in_dim3A_161 : vector<1024x1024xi1>, vector<1024x1024xi32>
    %reduce_min3A = arith.constant dense<2147483647> : vector<1024xi32>
    %reduce_min3A_163 = vector.multi_reduction <minsi>, %select_n3A_162, %reduce_min3A [1] : vector<1024x1024xi32> to vector<1024xi32>
    %add3A_164 = vector.broadcast %mul3A_156 : i32 to vector<1024xi32>
    %add3A_165 = arith.addi %reduce_min3A_163, %add3A_164 : vector<1024xi32>
    %swap3A_166 = arith.constant 0 : index
    %swap3A_167 = arith.constant 0 : index
    %swap3A_168 = arith.constant 0 : index
    %swap3A_169 = arith.constant 0 : index
    %swap3A_170 = vector.load %arg25[%swap3A_166, %swap3A_167, %swap3A_168, %swap3A_169] : memref<3x1x1x1024xi32, #tpu.memory_space<vmem>>, vector<1x1x1x1024xi32>
    %swap3A_171 = vector.shape_cast %swap3A_170 : vector<1x1x1x1024xi32> to vector<1024xi32>
    %swap3A_172 = vector.shape_cast %add3A_165 : vector<1024xi32> to vector<1x1x1x1024xi32>
    tpu.vector_store %arg25[%swap3A_166, %swap3A_167, %swap3A_168, %swap3A_169], %swap3A_172 {strides = array<i32>} : memref<3x1x1x1024xi32, #tpu.memory_space<vmem>>, vector<1x1x1x1024xi32>,
    %broadcast_in_dim3A_173 = vector.shape_cast %reduce_min3A_163 : vector<1024xi32> to vector<1024x1xi32>
    %eq3A_174 = vector.broadcast %broadcast_in_dim3A_173 : vector<1024x1xi32> to vector<1024x1024xi32>
    %eq3A_175 = arith.cmpi eq, %iota3A, %eq3A_174 : vector<1024x1024xi32>
    %jit3A_176 = arith.constant 0xFF800000 : f32
    %broadcast_in_dim3A_177 = vector.broadcast %jit3A_176 : f32 to vector<1024x1024xf32>
    %select_n3A_178 = arith.select %eq3A_175, %broadcast_in_dim3A_177, %select_n3A : vector<1024x1024xi1>, vector<1024x1024xf32>
    %reduce_max3A_179 = arith.constant dense<0xFF800000> : vector<1024xf32>
    %reduce_max3A_180 = vector.multi_reduction <maximumf>, %select_n3A_178, %reduce_max3A_179 [1] : vector<1024x1024xf32> to vector<1024xf32>
    %broadcast_in_dim3A_181 = vector.shape_cast %reduce_max3A_180 : vector<1024xf32> to vector<1024x1xf32>
    %eq3A_182 = vector.broadcast %broadcast_in_dim3A_181 : vector<1024x1xf32> to vector<1024x1024xf32>
    %eq3A_183 = arith.cmpf oeq, %select_n3A_178, %eq3A_182 : vector<1024x1024xf32>
    %jit3A_184 = arith.constant 1024 : i32
    %broadcast_in_dim3A_185 = vector.broadcast %jit3A_184 : i32 to vector<1024x1024xi32>
    %select_n3A_186 = arith.select %eq3A_183, %iota3A, %broadcast_in_dim3A_185 : vector<1024x1024xi1>, vector<1024x1024xi32>
    %reduce_min3A_187 = arith.constant dense<2147483647> : vector<1024xi32>
    %reduce_min3A_188 = vector.multi_reduction <minsi>, %select_n3A_186, %reduce_min3A_187 [1] : vector<1024x1024xi32> to vector<1024xi32>
    %add3A_189 = vector.broadcast %mul3A_156 : i32 to vector<1024xi32>
    %add3A_190 = arith.addi %reduce_min3A_188, %add3A_189 : vector<1024xi32>
    %swap3A_191 = arith.constant 1 : index
    %swap3A_192 = arith.constant 0 : index
    %swap3A_193 = arith.constant 0 : index
    %swap3A_194 = arith.constant 0 : index
    %swap3A_195 = vector.load %arg25[%swap3A_191, %swap3A_192, %swap3A_193, %swap3A_194] : memref<3x1x1x1024xi32, #tpu.memory_space<vmem>>, vector<1x1x1x1024xi32>
    %swap3A_196 = vector.shape_cast %swap3A_195 : vector<1x1x1x1024xi32> to vector<1024xi32>
    %swap3A_197 = vector.shape_cast %add3A_190 : vector<1024xi32> to vector<1x1x1x1024xi32>
    tpu.vector_store %arg25[%swap3A_191, %swap3A_192, %swap3A_193, %swap3A_194], %swap3A_197 {strides = array<i32>} : memref<3x1x1x1024xi32, #tpu.memory_space<vmem>>, vector<1x1x1x1024xi32>,
    %broadcast_in_dim3A_198 = vector.shape_cast %reduce_min3A_188 : vector<1024xi32> to vector<1024x1xi32>
    %eq3A_199 = vector.broadcast %broadcast_in_dim3A_198 : vector<1024x1xi32> to vector<1024x1024xi32>
    %eq3A_200 = arith.cmpi eq, %iota3A, %eq3A_199 : vector<1024x1024xi32>
    %jit3A_201 = arith.constant 0xFF800000 : f32
    %broadcast_in_dim3A_202 = vector.broadcast %jit3A_201 : f32 to vector<1024x1024xf32>
    %select_n3A_203 = arith.select %eq3A_200, %broadcast_in_dim3A_202, %select_n3A_178 : vector<1024x1024xi1>, vector<1024x1024xf32>
    %reduce_max3A_204 = arith.constant dense<0xFF800000> : vector<1024xf32>
    %reduce_max3A_205 = vector.multi_reduction <maximumf>, %select_n3A_203, %reduce_max3A_204 [1] : vector<1024x1024xf32> to vector<1024xf32>
    %broadcast_in_dim3A_206 = vector.shape_cast %reduce_max3A_205 : vector<1024xf32> to vector<1024x1xf32>
    %eq3A_207 = vector.broadcast %broadcast_in_dim3A_206 : vector<1024x1xf32> to vector<1024x1024xf32>
    %eq3A_208 = arith.cmpf oeq, %select_n3A_203, %eq3A_207 : vector<1024x1024xf32>
    %jit3A_209 = arith.constant 1024 : i32
    %broadcast_in_dim3A_210 = vector.broadcast %jit3A_209 : i32 to vector<1024x1024xi32>
    %select_n3A_211 = arith.select %eq3A_208, %iota3A, %broadcast_in_dim3A_210 : vector<1024x1024xi1>, vector<1024x1024xi32>
    %reduce_min3A_212 = arith.constant dense<2147483647> : vector<1024xi32>
    %reduce_min3A_213 = vector.multi_reduction <minsi>, %select_n3A_211, %reduce_min3A_212 [1] : vector<1024x1024xi32> to vector<1024xi32>
    %add3A_214 = vector.broadcast %mul3A_156 : i32 to vector<1024xi32>
    %add3A_215 = arith.addi %reduce_min3A_213, %add3A_214 : vector<1024xi32>
    %swap3A_216 = arith.constant 2 : index
    %swap3A_217 = arith.constant 0 : index
    %swap3A_218 = arith.constant 0 : index
    %swap3A_219 = arith.constant 0 : index
    %swap3A_220 = vector.load %arg25[%swap3A_216, %swap3A_217, %swap3A_218, %swap3A_219] : memref<3x1x1x1024xi32, #tpu.memory_space<vmem>>, vector<1x1x1x1024xi32>
    %swap3A_221 = vector.shape_cast %swap3A_220 : vector<1x1x1x1024xi32> to vector<1024xi32>
    %swap3A_222 = vector.shape_cast %add3A_215 : vector<1024xi32> to vector<1x1x1x1024xi32>
    tpu.vector_store %arg25[%swap3A_216, %swap3A_217, %swap3A_218, %swap3A_219], %swap3A_222 {strides = array<i32>} : memref<3x1x1x1024xi32, #tpu.memory_space<vmem>>, vector<1x1x1x1024xi32>,
    return
  }
  func.func @transform_0(%arg0: i32) -> (i32, i32) {
    %c0_i32 = arith.constant 0 : i32
    %c0_i32_0 = arith.constant 0 : i32
    %c0_i32_1 = arith.constant 0 : i32
    return %c0_i32, %c0_i32_0 : i32, i32
  }
  func.func @transform_1(%arg0: i32) -> (i32, i32, i32) {
    %c0_i32 = arith.constant 0 : i32
    %c0_i32_0 = arith.constant 0 : i32
    %c0_i32_1 = arith.constant 0 : i32
    return %arg0, %c0_i32, %c0_i32_0 : i32, i32, i32
  }
  func.func @transform_2(%arg0: i32) -> (i32, i32, i32) {
    %c0_i32 = arith.constant 0 : i32
    %c0_i32_0 = arith.constant 0 : i32
    %c0_i32_1 = arith.constant 0 : i32
    return %arg0, %c0_i32, %c0_i32_0 : i32, i32, i32
  }
  func.func @transform_3(%arg0: i32) -> (i32, i32) {
    %c0_i32 = arith.constant 0 : i32
    %c0_i32_0 = arith.constant 0 : i32
    %c0_i32_1 = arith.constant 0 : i32
    return %c0_i32, %c0_i32_0 : i32, i32
  }
  func.func @transform_4(%arg0: i32) -> (i32, i32) {
    %c0_i32 = arith.constant 0 : i32
    %c0_i32_0 = arith.constant 0 : i32
    %c0_i32_1 = arith.constant 0 : i32
    return %c0_i32, %c0_i32_0 : i32, i32
  }
  func.func @transform_5(%arg0: i32) -> (i32, i32) {
    %c0_i32 = arith.constant 0 : i32
    %c0_i32_0 = arith.constant 0 : i32
    %c0_i32_1 = arith.constant 0 : i32
    return %c0_i32, %c0_i32_0 : i32, i32
  }
  func.func @transform_6(%arg0: i32) -> (i32, i32) {
    %c0_i32 = arith.constant 0 : i32
    %c0_i32_0 = arith.constant 0 : i32
    %c0_i32_1 = arith.constant 0 : i32
    return %c0_i32, %c0_i32_0 : i32, i32
  }
  func.func @transform_7(%arg0: i32) -> (i32, i32) {
    %c0_i32 = arith.constant 0 : i32
    %c0_i32_0 = arith.constant 0 : i32
    %c0_i32_1 = arith.constant 0 : i32
    return %c0_i32, %c0_i32_0 : i32, i32
  }
  func.func @transform_8(%arg0: i32) -> (i32, i32) {
    %c0_i32 = arith.constant 0 : i32
    %c0_i32_0 = arith.constant 0 : i32
    %c0_i32_1 = arith.constant 0 : i32
    return %c0_i32, %c0_i32_0 : i32, i32
  }
  func.func @transform_9(%arg0: i32) -> (i32, i32) {
    %c0_i32 = arith.constant 0 : i32
    %c0_i32_0 = arith.constant 0 : i32
    %c0_i32_1 = arith.constant 0 : i32
    return %c0_i32, %c0_i32_0 : i32, i32
  }
  func.func @transform_10(%arg0: i32) -> (i32, i32) {
    %c0_i32 = arith.constant 0 : i32
    %c0_i32_0 = arith.constant 0 : i32
    %c0_i32_1 = arith.constant 0 : i32
    return %c0_i32, %c0_i32_0 : i32, i32
  }
  func.func @transform_11(%arg0: i32) -> (i32, i32) {
    %c0_i32 = arith.constant 0 : i32
    %c0_i32_0 = arith.constant 0 : i32
    %c0_i32_1 = arith.constant 0 : i32
    return %c0_i32, %c0_i32_0 : i32, i32
  }
  func.func @transform_12(%arg0: i32) -> (i32, i32) {
    %c0_i32 = arith.constant 0 : i32
    %c0_i32_0 = arith.constant 0 : i32
    %c0_i32_1 = arith.constant 0 : i32
    return %c0_i32, %c0_i32_0 : i32, i32
  }
  func.func @transform_13(%arg0: i32) -> (i32, i32) {
    %c0_i32 = arith.constant 0 : i32
    %c0_i32_0 = arith.constant 0 : i32
    %c0_i32_1 = arith.constant 0 : i32
    return %c0_i32, %c0_i32_0 : i32, i32
  }
  func.func @transform_14(%arg0: i32) -> (i32, i32) {
    %c0_i32 = arith.constant 0 : i32
    %c0_i32_0 = arith.constant 0 : i32
    %c0_i32_1 = arith.constant 0 : i32
    return %c0_i32, %c0_i32_0 : i32, i32
  }
  func.func @transform_15(%arg0: i32) -> (i32, i32) {
    %c0_i32 = arith.constant 0 : i32
    %c0_i32_0 = arith.constant 0 : i32
    %c0_i32_1 = arith.constant 0 : i32
    return %c0_i32, %c0_i32_0 : i32, i32
  }
  func.func @transform_16(%arg0: i32) -> (i32, i32) {
    %c0_i32 = arith.constant 0 : i32
    %c0_i32_0 = arith.constant 0 : i32
    %c0_i32_1 = arith.constant 0 : i32
    return %c0_i32, %c0_i32_0 : i32, i32
  }
  func.func @transform_17(%arg0: i32) -> (i32, i32) {
    %c0_i32 = arith.constant 0 : i32
    %c0_i32_0 = arith.constant 0 : i32
    %c0_i32_1 = arith.constant 0 : i32
    return %c0_i32, %c0_i32_0 : i32, i32
  }
  func.func @transform_18(%arg0: i32) -> (i32, i32) {
    %c0_i32 = arith.constant 0 : i32
    %c0_i32_0 = arith.constant 0 : i32
    %c0_i32_1 = arith.constant 0 : i32
    return %c0_i32, %c0_i32_0 : i32, i32
  }
  func.func @transform_19(%arg0: i32) -> (i32, i32) {
    %c0_i32 = arith.constant 0 : i32
    %c0_i32_0 = arith.constant 0 : i32
    %c0_i32_1 = arith.constant 0 : i32
    return %c0_i32, %c0_i32_0 : i32, i32
  }
  func.func @transform_20(%arg0: i32) -> (i32, i32) {
    %c0_i32 = arith.constant 0 : i32
    %c0_i32_0 = arith.constant 0 : i32
    %c0_i32_1 = arith.constant 0 : i32
    return %c0_i32, %c0_i32_0 : i32, i32
  }
  func.func @transform_21(%arg0: i32) -> (i32, i32, i32) {
    %c0_i32 = arith.constant 0 : i32
    %c0_i32_0 = arith.constant 0 : i32
    %c0_i32_1 = arith.constant 0 : i32
    return %arg0, %c0_i32, %c0_i32_0 : i32, i32, i32
  }
  func.func @transform_22(%arg0: i32) -> (i32, i32, i32) {
    %c0_i32 = arith.constant 0 : i32
    %c0_i32_0 = arith.constant 0 : i32
    %c0_i32_1 = arith.constant 0 : i32
    return %arg0, %c0_i32, %c0_i32_0 : i32, i32, i32
  }
  func.func @transform_23(%arg0: i32) -> (i32, i32, i32) {
    %c0_i32 = arith.constant 0 : i32
    %c0_i32_0 = arith.constant 0 : i32
    %c0_i32_1 = arith.constant 0 : i32
    return %arg0, %c0_i32, %c0_i32_0 : i32, i32, i32
  }
  func.func @transform_24(%arg0: i32) -> (i32, i32, i32, i32) {
    %c0_i32 = arith.constant 0 : i32
    %c0_i32_0 = arith.constant 0 : i32
    %c0_i32_1 = arith.constant 0 : i32
    %c0_i32_2 = arith.constant 0 : i32
    return %c0_i32, %arg0, %c0_i32_0, %c0_i32_1 : i32, i32, i32, i32
  }
}

module attributes {stable_mosaic.version = 14 : i64} {
  func.func @_kp2_body(%arg0: i32, %arg1: memref<1024x128xf32, #tpu.memory_space<vmem>>, %arg2: memref<1024x128xf32, #tpu.memory_space<vmem>>, %arg3: memref<1024x128xf32, #tpu.memory_space<vmem>>, %arg4: memref<1x1024x128xf32, #tpu.memory_space<vmem>>, %arg5: memref<1x1024x256xf32, #tpu.memory_space<vmem>>, %arg6: memref<1x1x1024xf32, #tpu.memory_space<vmem>>, %arg7: memref<128x128xf32, #tpu.memory_space<vmem>>, %arg8: memref<256x128xf32, #tpu.memory_space<vmem>>, %arg9: memref<1x128xf32, #tpu.memory_space<vmem>>, %arg10: memref<128x256xf32, #tpu.memory_space<vmem>>, %arg11: memref<128x128xf32, #tpu.memory_space<vmem>>, %arg12: memref<128x128xf32, #tpu.memory_space<vmem>>, %arg13: memref<128x128xf32, #tpu.memory_space<vmem>>, %arg14: memref<256x128xf32, #tpu.memory_space<vmem>>, %arg15: memref<128x256xf32, #tpu.memory_space<vmem>>, %arg16: memref<128x256xf32, #tpu.memory_space<vmem>>, %arg17: memref<128x128xf32, #tpu.memory_space<vmem>>, %arg18: memref<256x128xf32, #tpu.memory_space<vmem>>, %arg19: memref<1x128xf32, #tpu.memory_space<vmem>>, %arg20: memref<1x128xf32, #tpu.memory_space<vmem>>, %arg21: memref<1x256xf32, #tpu.memory_space<vmem>>, %arg22: memref<1x128xf32, #tpu.memory_space<vmem>>, %arg23: memref<1x128xf32, #tpu.memory_space<vmem>>, %arg24: memref<1x1024x256xf32, #tpu.memory_space<vmem>>, %arg25: memref<1x1024x128xf32, #tpu.memory_space<vmem>>, %arg26: memref<1x1024x128xf32, #tpu.memory_space<vmem>>, %arg27: memref<3x1x1x1024xi32, #tpu.memory_space<vmem>>) attributes {dimension_semantics = [#tpu.dimension_semantics<parallel>], iteration_bounds = array<i64: 4>, scalar_prefetch = 0 : i64, scratch_operands = 0 : i64, tpu.core_type = #tpu.core_type<tc>, window_params = [{transform_indices = @transform_0, window_bounds = array<i64: 1024, 128>}, {transform_indices = @transform_1, window_bounds = array<i64: 1024, 128>}, {transform_indices = @transform_2, window_bounds = array<i64: 1024, 128>}, {transform_indices = @transform_3, window_bounds = array<i64: 1, 1024, 128>}, {transform_indices = @transform_4, window_bounds = array<i64: 1, 1024, 256>}, {transform_indices = @transform_5, window_bounds = array<i64: 1, 1, 1024>}, {pipeline_mode = #tpu.pipeline_mode<synchronous>, transform_indices = @transform_6, window_bounds = array<i64: 128, 128>}, {pipeline_mode = #tpu.pipeline_mode<synchronous>, transform_indices = @transform_7, window_bounds = array<i64: 256, 128>}, {pipeline_mode = #tpu.pipeline_mode<synchronous>, transform_indices = @transform_8, window_bounds = array<i64: 1, 128>}, {pipeline_mode = #tpu.pipeline_mode<synchronous>, transform_indices = @transform_9, window_bounds = array<i64: 128, 256>}, {pipeline_mode = #tpu.pipeline_mode<synchronous>, transform_indices = @transform_10, window_bounds = array<i64: 128, 128>}, {pipeline_mode = #tpu.pipeline_mode<synchronous>, transform_indices = @transform_11, window_bounds = array<i64: 128, 128>}, {pipeline_mode = #tpu.pipeline_mode<synchronous>, transform_indices = @transform_12, window_bounds = array<i64: 128, 128>}, {pipeline_mode = #tpu.pipeline_mode<synchronous>, transform_indices = @transform_13, window_bounds = array<i64: 256, 128>}, {pipeline_mode = #tpu.pipeline_mode<synchronous>, transform_indices = @transform_14, window_bounds = array<i64: 128, 256>}, {pipeline_mode = #tpu.pipeline_mode<synchronous>, transform_indices = @transform_15, window_bounds = array<i64: 128, 256>}, {pipeline_mode = #tpu.pipeline_mode<synchronous>, transform_indices = @transform_16, window_bounds = array<i64: 128, 128>}, {pipeline_mode = #tpu.pipeline_mode<synchronous>, transform_indices = @transform_17, window_bounds = array<i64: 256, 128>}, {pipeline_mode = #tpu.pipeline_mode<synchronous>, transform_indices = @transform_18, window_bounds = array<i64: 1, 128>}, {pipeline_mode = #tpu.pipeline_mode<synchronous>, transform_indices = @transform_19, window_bounds = array<i64: 1, 128>}, {pipeline_mode = #tpu.pipeline_mode<synchronous>, transform_indices = @transform_20, window_bounds = array<i64: 1, 256>}, {pipeline_mode = #tpu.pipeline_mode<synchronous>, transform_indices = @transform_21, window_bounds = array<i64: 1, 128>}, {pipeline_mode = #tpu.pipeline_mode<synchronous>, transform_indices = @transform_22, window_bounds = array<i64: 1, 128>}, {transform_indices = @transform_23, window_bounds = array<i64: 1, 1024, 256>}, {transform_indices = @transform_24, window_bounds = array<i64: 1, 1024, 128>}, {transform_indices = @transform_25, window_bounds = array<i64: 1, 1024, 128>}, {transform_indices = @transform_26, window_bounds = array<i64: 3, 1, 1, 1024>}]} {
    %get3A = arith.constant 0 : index
    %get3A_0 = arith.constant 0 : index
    %get3A_1 = arith.constant 0 : index
    %get3A_2 = vector.load %arg4[%get3A, %get3A_0, %get3A_1] : memref<1x1024x128xf32, #tpu.memory_space<vmem>>, vector<1x1024x128xf32>
    %get3A_3 = vector.shape_cast %get3A_2 : vector<1x1024x128xf32> to vector<1024x128xf32>
    %get3A_4 = arith.constant 0 : index
    %get3A_5 = arith.constant 0 : index
    %get3A_6 = vector.load %arg1[%get3A_4, %get3A_5] : memref<1024x128xf32, #tpu.memory_space<vmem>>, vector<1024x128xf32>
    %add3A = arith.addf %get3A_6, %get3A_3 : vector<1024x128xf32>
    %max3A = arith.constant 0.000000e+00 : f32
    %max3A_7 = vector.broadcast %max3A : f32 to vector<1024x128xf32>
    %max3A_8 = arith.maximumf %add3A, %max3A_7 : vector<1024x128xf32>
    %get3A_9 = arith.constant 0 : index
    %get3A_10 = arith.constant 0 : index
    %get3A_11 = vector.load %arg7[%get3A_9, %get3A_10] : memref<128x128xf32, #tpu.memory_space<vmem>>, vector<128x128xf32>
    %convert_element_type3A = arith.truncf %max3A_8 : vector<1024x128xf32> to vector<1024x128xbf16>
    %convert_element_type3A_12 = arith.truncf %get3A_11 : vector<128x128xf32> to vector<128x128xbf16>
    %dot_general3A = arith.constant dense<0.000000e+00> : vector<1024x128xf32>
    %dot_general3A_13 = tpu.matmul %convert_element_type3A, %convert_element_type3A_12, %dot_general3A {dimension_numbers = #tpu.dot_dimension_numbers<[1], [1], [0], [0], [0, 0, 1, 0], [], []>, transpose_lhs_hint = false} : vector<1024x128xbf16>, vector<128x128xbf16>, vector<1024x128xf32> -> vector<1024x128xf32>
    %get3A_14 = arith.constant 0 : index
    %get3A_15 = arith.constant 0 : index
    %get3A_16 = vector.load %arg9[%get3A_14, %get3A_15] : memref<1x128xf32, #tpu.memory_space<vmem>>, vector<1x128xf32>
    %add3A_17 = vector.broadcast %get3A_16 : vector<1x128xf32> to vector<1024x128xf32>
    %add3A_18 = arith.addf %dot_general3A_13, %add3A_17 : vector<1024x128xf32>
    %max3A_19 = arith.constant 0.000000e+00 : f32
    %max3A_20 = vector.broadcast %max3A_19 : f32 to vector<1024x128xf32>
    %max3A_21 = arith.maximumf %add3A_18, %max3A_20 : vector<1024x128xf32>
    %get3A_22 = arith.constant 0 : index
    %get3A_23 = arith.constant 0 : index
    %get3A_24 = vector.load %arg8[%get3A_22, %get3A_23] : memref<256x128xf32, #tpu.memory_space<vmem>>, vector<256x128xf32>
    %convert_element_type3A_25 = arith.truncf %max3A_21 : vector<1024x128xf32> to vector<1024x128xbf16>
    %convert_element_type3A_26 = arith.truncf %get3A_24 : vector<256x128xf32> to vector<256x128xbf16>
    %dot_general3A_27 = arith.constant dense<0.000000e+00> : vector<1024x256xf32>
    %dot_general3A_28 = tpu.matmul %convert_element_type3A_25, %convert_element_type3A_26, %dot_general3A_27 {dimension_numbers = #tpu.dot_dimension_numbers<[1], [1], [0], [0], [0, 0, 1, 0], [], []>, transpose_lhs_hint = false} : vector<1024x128xbf16>, vector<256x128xbf16>, vector<1024x256xf32> -> vector<1024x256xf32>
    %get3A_29 = arith.constant 0 : index
    %get3A_30 = arith.constant 0 : index
    %get3A_31 = vector.load %arg2[%get3A_29, %get3A_30] : memref<1024x128xf32, #tpu.memory_space<vmem>>, vector<1024x128xf32>
    %add3A_32 = arith.addf %get3A_31, %get3A_3 : vector<1024x128xf32>
    %max3A_33 = arith.constant 0.000000e+00 : f32
    %max3A_34 = vector.broadcast %max3A_33 : f32 to vector<1024x128xf32>
    %max3A_35 = arith.maximumf %add3A_32, %max3A_34 : vector<1024x128xf32>
    %get3A_36 = arith.constant 0 : index
    %get3A_37 = arith.constant 0 : index
    %get3A_38 = vector.load %arg7[%get3A_36, %get3A_37] : memref<128x128xf32, #tpu.memory_space<vmem>>, vector<128x128xf32>
    %convert_element_type3A_39 = arith.truncf %max3A_35 : vector<1024x128xf32> to vector<1024x128xbf16>
    %convert_element_type3A_40 = arith.truncf %get3A_38 : vector<128x128xf32> to vector<128x128xbf16>
    %dot_general3A_41 = arith.constant dense<0.000000e+00> : vector<1024x128xf32>
    %dot_general3A_42 = tpu.matmul %convert_element_type3A_39, %convert_element_type3A_40, %dot_general3A_41 {dimension_numbers = #tpu.dot_dimension_numbers<[1], [1], [0], [0], [0, 0, 1, 0], [], []>, transpose_lhs_hint = false} : vector<1024x128xbf16>, vector<128x128xbf16>, vector<1024x128xf32> -> vector<1024x128xf32>
    %get3A_43 = arith.constant 0 : index
    %get3A_44 = arith.constant 0 : index
    %get3A_45 = vector.load %arg9[%get3A_43, %get3A_44] : memref<1x128xf32, #tpu.memory_space<vmem>>, vector<1x128xf32>
    %add3A_46 = vector.broadcast %get3A_45 : vector<1x128xf32> to vector<1024x128xf32>
    %add3A_47 = arith.addf %dot_general3A_42, %add3A_46 : vector<1024x128xf32>
    %max3A_48 = arith.constant 0.000000e+00 : f32
    %max3A_49 = vector.broadcast %max3A_48 : f32 to vector<1024x128xf32>
    %max3A_50 = arith.maximumf %add3A_47, %max3A_49 : vector<1024x128xf32>
    %get3A_51 = arith.constant 0 : index
    %get3A_52 = arith.constant 0 : index
    %get3A_53 = vector.load %arg8[%get3A_51, %get3A_52] : memref<256x128xf32, #tpu.memory_space<vmem>>, vector<256x128xf32>
    %convert_element_type3A_54 = arith.truncf %max3A_50 : vector<1024x128xf32> to vector<1024x128xbf16>
    %convert_element_type3A_55 = arith.truncf %get3A_53 : vector<256x128xf32> to vector<256x128xbf16>
    %dot_general3A_56 = arith.constant dense<0.000000e+00> : vector<1024x256xf32>
    %dot_general3A_57 = tpu.matmul %convert_element_type3A_54, %convert_element_type3A_55, %dot_general3A_56 {dimension_numbers = #tpu.dot_dimension_numbers<[1], [1], [0], [0], [0, 0, 1, 0], [], []>, transpose_lhs_hint = false} : vector<1024x128xbf16>, vector<256x128xbf16>, vector<1024x256xf32> -> vector<1024x256xf32>
    %max3A_58 = arith.maximumf %dot_general3A_28, %dot_general3A_57 : vector<1024x256xf32>
    %get3A_59 = arith.constant 0 : index
    %get3A_60 = arith.constant 0 : index
    %get3A_61 = vector.load %arg3[%get3A_59, %get3A_60] : memref<1024x128xf32, #tpu.memory_space<vmem>>, vector<1024x128xf32>
    %add3A_62 = arith.addf %get3A_61, %get3A_3 : vector<1024x128xf32>
    %max3A_63 = arith.constant 0.000000e+00 : f32
    %max3A_64 = vector.broadcast %max3A_63 : f32 to vector<1024x128xf32>
    %max3A_65 = arith.maximumf %add3A_62, %max3A_64 : vector<1024x128xf32>
    %get3A_66 = arith.constant 0 : index
    %get3A_67 = arith.constant 0 : index
    %get3A_68 = vector.load %arg7[%get3A_66, %get3A_67] : memref<128x128xf32, #tpu.memory_space<vmem>>, vector<128x128xf32>
    %convert_element_type3A_69 = arith.truncf %max3A_65 : vector<1024x128xf32> to vector<1024x128xbf16>
    %convert_element_type3A_70 = arith.truncf %get3A_68 : vector<128x128xf32> to vector<128x128xbf16>
    %dot_general3A_71 = arith.constant dense<0.000000e+00> : vector<1024x128xf32>
    %dot_general3A_72 = tpu.matmul %convert_element_type3A_69, %convert_element_type3A_70, %dot_general3A_71 {dimension_numbers = #tpu.dot_dimension_numbers<[1], [1], [0], [0], [0, 0, 1, 0], [], []>, transpose_lhs_hint = false} : vector<1024x128xbf16>, vector<128x128xbf16>, vector<1024x128xf32> -> vector<1024x128xf32>
    %get3A_73 = arith.constant 0 : index
    %get3A_74 = arith.constant 0 : index
    %get3A_75 = vector.load %arg9[%get3A_73, %get3A_74] : memref<1x128xf32, #tpu.memory_space<vmem>>, vector<1x128xf32>
    %add3A_76 = vector.broadcast %get3A_75 : vector<1x128xf32> to vector<1024x128xf32>
    %add3A_77 = arith.addf %dot_general3A_72, %add3A_76 : vector<1024x128xf32>
    %max3A_78 = arith.constant 0.000000e+00 : f32
    %max3A_79 = vector.broadcast %max3A_78 : f32 to vector<1024x128xf32>
    %max3A_80 = arith.maximumf %add3A_77, %max3A_79 : vector<1024x128xf32>
    %get3A_81 = arith.constant 0 : index
    %get3A_82 = arith.constant 0 : index
    %get3A_83 = vector.load %arg8[%get3A_81, %get3A_82] : memref<256x128xf32, #tpu.memory_space<vmem>>, vector<256x128xf32>
    %convert_element_type3A_84 = arith.truncf %max3A_80 : vector<1024x128xf32> to vector<1024x128xbf16>
    %convert_element_type3A_85 = arith.truncf %get3A_83 : vector<256x128xf32> to vector<256x128xbf16>
    %dot_general3A_86 = arith.constant dense<0.000000e+00> : vector<1024x256xf32>
    %dot_general3A_87 = tpu.matmul %convert_element_type3A_84, %convert_element_type3A_85, %dot_general3A_86 {dimension_numbers = #tpu.dot_dimension_numbers<[1], [1], [0], [0], [0, 0, 1, 0], [], []>, transpose_lhs_hint = false} : vector<1024x128xbf16>, vector<256x128xbf16>, vector<1024x256xf32> -> vector<1024x256xf32>
    %max3A_88 = arith.maximumf %max3A_58, %dot_general3A_87 : vector<1024x256xf32>
    %get3A_89 = arith.constant 0 : index
    %get3A_90 = arith.constant 0 : index
    %get3A_91 = arith.constant 0 : index
    %get3A_92 = vector.load %arg5[%get3A_89, %get3A_90, %get3A_91] : memref<1x1024x256xf32, #tpu.memory_space<vmem>>, vector<1x1024x256xf32>
    %get3A_93 = vector.shape_cast %get3A_92 : vector<1x1024x256xf32> to vector<1024x256xf32>
    %add3A_94 = arith.addf %get3A_93, %max3A_88 : vector<1024x256xf32>
    %max3A_95 = arith.constant 0.000000e+00 : f32
    %max3A_96 = vector.broadcast %max3A_95 : f32 to vector<1024x256xf32>
    %max3A_97 = arith.maximumf %add3A_94, %max3A_96 : vector<1024x256xf32>
    %get3A_98 = arith.constant 0 : index
    %get3A_99 = arith.constant 0 : index
    %get3A_100 = vector.load %arg10[%get3A_98, %get3A_99] : memref<128x256xf32, #tpu.memory_space<vmem>>, vector<128x256xf32>
    %convert_element_type3A_101 = arith.truncf %max3A_97 : vector<1024x256xf32> to vector<1024x256xbf16>
    %convert_element_type3A_102 = arith.truncf %get3A_100 : vector<128x256xf32> to vector<128x256xbf16>
    %dot_general3A_103 = arith.constant dense<0.000000e+00> : vector<1024x128xf32>
    %dot_general3A_104 = tpu.matmul %convert_element_type3A_101, %convert_element_type3A_102, %dot_general3A_103 {dimension_numbers = #tpu.dot_dimension_numbers<[1], [1], [0], [0], [0, 0, 1, 0], [], []>, transpose_lhs_hint = false} : vector<1024x256xbf16>, vector<128x256xbf16>, vector<1024x128xf32> -> vector<1024x128xf32>
    %get3A_105 = arith.constant 0 : index
    %get3A_106 = arith.constant 0 : index
    %get3A_107 = vector.load %arg19[%get3A_105, %get3A_106] : memref<1x128xf32, #tpu.memory_space<vmem>>, vector<1x128xf32>
    %add3A_108 = vector.broadcast %get3A_107 : vector<1x128xf32> to vector<1024x128xf32>
    %add3A_109 = arith.addf %dot_general3A_104, %add3A_108 : vector<1024x128xf32>
    %max3A_110 = arith.constant 0.000000e+00 : f32
    %max3A_111 = vector.broadcast %max3A_110 : f32 to vector<1024x128xf32>
    %max3A_112 = arith.maximumf %add3A_109, %max3A_111 : vector<1024x128xf32>
    %broadcast_in_dim3A = arith.constant 0.000000e+00 : f32
    %broadcast_in_dim3A_113 = vector.broadcast %broadcast_in_dim3A : f32 to vector<1x128xf32>
    %concatenate3A = tpu.concatenate %broadcast_in_dim3A_113, %max3A_112, %broadcast_in_dim3A_113 in 0 : vector<1x128xf32>, vector<1024x128xf32>, vector<1x128xf32> -> vector<1026x128xf32>
    %slice3A = vector.extract_strided_slice %concatenate3A {offsets = [0, 0], sizes = [1024, 128], strides = [1, 1]} : vector<1026x128xf32> to vector<1024x128xf32>
    %get3A_114 = arith.constant 0 : index
    %get3A_115 = arith.constant 0 : index
    %get3A_116 = vector.load %arg11[%get3A_114, %get3A_115] : memref<128x128xf32, #tpu.memory_space<vmem>>, vector<128x128xf32>
    %convert_element_type3A_117 = arith.truncf %slice3A : vector<1024x128xf32> to vector<1024x128xbf16>
    %convert_element_type3A_118 = arith.truncf %get3A_116 : vector<128x128xf32> to vector<128x128xbf16>
    %dot_general3A_119 = arith.constant dense<0.000000e+00> : vector<1024x128xf32>
    %dot_general3A_120 = tpu.matmul %convert_element_type3A_117, %convert_element_type3A_118, %dot_general3A_119 {dimension_numbers = #tpu.dot_dimension_numbers<[1], [1], [0], [0], [0, 0, 1, 0], [], []>, transpose_lhs_hint = false} : vector<1024x128xbf16>, vector<128x128xbf16>, vector<1024x128xf32> -> vector<1024x128xf32>
    %slice3A_121 = vector.extract_strided_slice %concatenate3A {offsets = [1, 0], sizes = [1024, 128], strides = [1, 1]} : vector<1026x128xf32> to vector<1024x128xf32>
    %get3A_122 = arith.constant 0 : index
    %get3A_123 = arith.constant 0 : index
    %get3A_124 = vector.load %arg12[%get3A_122, %get3A_123] : memref<128x128xf32, #tpu.memory_space<vmem>>, vector<128x128xf32>
    %convert_element_type3A_125 = arith.truncf %slice3A_121 : vector<1024x128xf32> to vector<1024x128xbf16>
    %convert_element_type3A_126 = arith.truncf %get3A_124 : vector<128x128xf32> to vector<128x128xbf16>
    %dot_general3A_127 = arith.constant dense<0.000000e+00> : vector<1024x128xf32>
    %dot_general3A_128 = tpu.matmul %convert_element_type3A_125, %convert_element_type3A_126, %dot_general3A_127 {dimension_numbers = #tpu.dot_dimension_numbers<[1], [1], [0], [0], [0, 0, 1, 0], [], []>, transpose_lhs_hint = false} : vector<1024x128xbf16>, vector<128x128xbf16>, vector<1024x128xf32> -> vector<1024x128xf32>
    %add3A_129 = arith.addf %dot_general3A_120, %dot_general3A_128 : vector<1024x128xf32>
    %slice3A_130 = vector.extract_strided_slice %concatenate3A {offsets = [2, 0], sizes = [1024, 128], strides = [1, 1]} : vector<1026x128xf32> to vector<1024x128xf32>
    %get3A_131 = arith.constant 0 : index
    %get3A_132 = arith.constant 0 : index
    %get3A_133 = vector.load %arg13[%get3A_131, %get3A_132] : memref<128x128xf32, #tpu.memory_space<vmem>>, vector<128x128xf32>
    %convert_element_type3A_134 = arith.truncf %slice3A_130 : vector<1024x128xf32> to vector<1024x128xbf16>
    %convert_element_type3A_135 = arith.truncf %get3A_133 : vector<128x128xf32> to vector<128x128xbf16>
    %dot_general3A_136 = arith.constant dense<0.000000e+00> : vector<1024x128xf32>
    %dot_general3A_137 = tpu.matmul %convert_element_type3A_134, %convert_element_type3A_135, %dot_general3A_136 {dimension_numbers = #tpu.dot_dimension_numbers<[1], [1], [0], [0], [0, 0, 1, 0], [], []>, transpose_lhs_hint = false} : vector<1024x128xbf16>, vector<128x128xbf16>, vector<1024x128xf32> -> vector<1024x128xf32>
    %add3A_138 = arith.addf %add3A_129, %dot_general3A_137 : vector<1024x128xf32>
    %get3A_139 = arith.constant 0 : index
    %get3A_140 = arith.constant 0 : index
    %get3A_141 = vector.load %arg20[%get3A_139, %get3A_140] : memref<1x128xf32, #tpu.memory_space<vmem>>, vector<1x128xf32>
    %add3A_142 = vector.broadcast %get3A_141 : vector<1x128xf32> to vector<1024x128xf32>
    %add3A_143 = arith.addf %add3A_138, %add3A_142 : vector<1024x128xf32>
    %max3A_144 = arith.constant 0.000000e+00 : f32
    %max3A_145 = vector.broadcast %max3A_144 : f32 to vector<1024x128xf32>
    %max3A_146 = arith.maximumf %add3A_143, %max3A_145 : vector<1024x128xf32>
    %get3A_147 = arith.constant 0 : index
    %get3A_148 = arith.constant 0 : index
    %get3A_149 = vector.load %arg14[%get3A_147, %get3A_148] : memref<256x128xf32, #tpu.memory_space<vmem>>, vector<256x128xf32>
    %convert_element_type3A_150 = arith.truncf %max3A_146 : vector<1024x128xf32> to vector<1024x128xbf16>
    %convert_element_type3A_151 = arith.truncf %get3A_149 : vector<256x128xf32> to vector<256x128xbf16>
    %dot_general3A_152 = arith.constant dense<0.000000e+00> : vector<1024x256xf32>
    %dot_general3A_153 = tpu.matmul %convert_element_type3A_150, %convert_element_type3A_151, %dot_general3A_152 {dimension_numbers = #tpu.dot_dimension_numbers<[1], [1], [0], [0], [0, 0, 1, 0], [], []>, transpose_lhs_hint = false} : vector<1024x128xbf16>, vector<256x128xbf16>, vector<1024x256xf32> -> vector<1024x256xf32>
    %get3A_154 = arith.constant 0 : index
    %get3A_155 = arith.constant 0 : index
    %get3A_156 = vector.load %arg21[%get3A_154, %get3A_155] : memref<1x256xf32, #tpu.memory_space<vmem>>, vector<1x256xf32>
    %add3A_157 = vector.broadcast %get3A_156 : vector<1x256xf32> to vector<1024x256xf32>
    %add3A_158 = arith.addf %dot_general3A_153, %add3A_157 : vector<1024x256xf32>
    %add3A_159 = arith.addf %max3A_97, %add3A_158 : vector<1024x256xf32>
    %swap3A = arith.constant 0 : index
    %swap3A_160 = arith.constant 0 : index
    %swap3A_161 = arith.constant 0 : index
    %swap3A_162 = vector.load %arg24[%swap3A, %swap3A_160, %swap3A_161] : memref<1x1024x256xf32, #tpu.memory_space<vmem>>, vector<1x1024x256xf32>
    %swap3A_163 = vector.shape_cast %swap3A_162 : vector<1x1024x256xf32> to vector<1024x256xf32>
    %swap3A_164 = vector.shape_cast %add3A_159 : vector<1024x256xf32> to vector<1x1024x256xf32>
    tpu.vector_store %arg24[%swap3A, %swap3A_160, %swap3A_161], %swap3A_164 {strides = array<i32>} : memref<1x1024x256xf32, #tpu.memory_space<vmem>>, vector<1x1024x256xf32>,
    %get3A_165 = arith.constant 0 : index
    %get3A_166 = arith.constant 0 : index
    %get3A_167 = vector.load %arg15[%get3A_165, %get3A_166] : memref<128x256xf32, #tpu.memory_space<vmem>>, vector<128x256xf32>
    %convert_element_type3A_168 = arith.truncf %max3A_97 : vector<1024x256xf32> to vector<1024x256xbf16>
    %convert_element_type3A_169 = arith.truncf %get3A_167 : vector<128x256xf32> to vector<128x256xbf16>
    %dot_general3A_170 = arith.constant dense<0.000000e+00> : vector<1024x128xf32>
    %dot_general3A_171 = tpu.matmul %convert_element_type3A_168, %convert_element_type3A_169, %dot_general3A_170 {dimension_numbers = #tpu.dot_dimension_numbers<[1], [1], [0], [0], [0, 0, 1, 0], [], []>, transpose_lhs_hint = false} : vector<1024x256xbf16>, vector<128x256xbf16>, vector<1024x128xf32> -> vector<1024x128xf32>
    %swap3A_172 = arith.constant 0 : index
    %swap3A_173 = arith.constant 0 : index
    %swap3A_174 = arith.constant 0 : index
    %swap3A_175 = vector.load %arg25[%swap3A_172, %swap3A_173, %swap3A_174] : memref<1x1024x128xf32, #tpu.memory_space<vmem>>, vector<1x1024x128xf32>
    %swap3A_176 = vector.shape_cast %swap3A_175 : vector<1x1024x128xf32> to vector<1024x128xf32>
    %swap3A_177 = vector.shape_cast %dot_general3A_171 : vector<1024x128xf32> to vector<1x1024x128xf32>
    tpu.vector_store %arg25[%swap3A_172, %swap3A_173, %swap3A_174], %swap3A_177 {strides = array<i32>} : memref<1x1024x128xf32, #tpu.memory_space<vmem>>, vector<1x1024x128xf32>,
    %get3A_178 = arith.constant 0 : index
    %get3A_179 = arith.constant 0 : index
    %get3A_180 = vector.load %arg16[%get3A_178, %get3A_179] : memref<128x256xf32, #tpu.memory_space<vmem>>, vector<128x256xf32>
    %convert_element_type3A_181 = arith.truncf %max3A_97 : vector<1024x256xf32> to vector<1024x256xbf16>
    %convert_element_type3A_182 = arith.truncf %get3A_180 : vector<128x256xf32> to vector<128x256xbf16>
    %dot_general3A_183 = arith.constant dense<0.000000e+00> : vector<1024x128xf32>
    %dot_general3A_184 = tpu.matmul %convert_element_type3A_181, %convert_element_type3A_182, %dot_general3A_183 {dimension_numbers = #tpu.dot_dimension_numbers<[1], [1], [0], [0], [0, 0, 1, 0], [], []>, transpose_lhs_hint = false} : vector<1024x256xbf16>, vector<128x256xbf16>, vector<1024x128xf32> -> vector<1024x128xf32>
    %get3A_185 = arith.constant 0 : index
    %get3A_186 = arith.constant 0 : index
    %get3A_187 = vector.load %arg22[%get3A_185, %get3A_186] : memref<1x128xf32, #tpu.memory_space<vmem>>, vector<1x128xf32>
    %add3A_188 = vector.broadcast %get3A_187 : vector<1x128xf32> to vector<1024x128xf32>
    %add3A_189 = arith.addf %dot_general3A_184, %add3A_188 : vector<1024x128xf32>
    %swap3A_190 = arith.constant 0 : index
    %swap3A_191 = arith.constant 0 : index
    %swap3A_192 = arith.constant 0 : index
    %swap3A_193 = vector.load %arg26[%swap3A_190, %swap3A_191, %swap3A_192] : memref<1x1024x128xf32, #tpu.memory_space<vmem>>, vector<1x1024x128xf32>
    %swap3A_194 = vector.shape_cast %swap3A_193 : vector<1x1024x128xf32> to vector<1024x128xf32>
    %swap3A_195 = vector.shape_cast %add3A_189 : vector<1024x128xf32> to vector<1x1024x128xf32>
    tpu.vector_store %arg26[%swap3A_190, %swap3A_191, %swap3A_192], %swap3A_195 {strides = array<i32>} : memref<1x1024x128xf32, #tpu.memory_space<vmem>>, vector<1x1024x128xf32>,
    %dot_general3A_196 = arith.constant dense<0.000000e+00> : vector<1024x1024xf32>
    %dot_general3A_197 = tpu.matmul %max3A_97, %max3A_97, %dot_general3A_196 {dimension_numbers = #tpu.dot_dimension_numbers<[1], [1], [0], [0], [0, 0, 1, 0], [], []>, transpose_lhs_hint = false} : vector<1024x256xf32>, vector<1024x256xf32>, vector<1024x1024xf32> -> vector<1024x1024xf32>
    %mul3A = arith.mulf %max3A_97, %max3A_97 : vector<1024x256xf32>
    %reduce_sum3A = arith.constant dense<0.000000e+00> : vector<1024xf32>
    %reduce_sum3A_198 = vector.multi_reduction <add>, %mul3A, %reduce_sum3A [1] : vector<1024x256xf32> to vector<1024xf32>
    %mul3A_199 = arith.constant 2.000000e+00 : f32
    %mul3A_200 = vector.broadcast %mul3A_199 : f32 to vector<1024x1024xf32>
    %mul3A_201 = arith.mulf %mul3A_200, %dot_general3A_197 : vector<1024x1024xf32>
    %broadcast_in_dim3A_202 = vector.shape_cast %reduce_sum3A_198 : vector<1024xf32> to vector<1024x1xf32>
    %sub3A = vector.broadcast %broadcast_in_dim3A_202 : vector<1024x1xf32> to vector<1024x1024xf32>
    %sub3A_203 = arith.subf %mul3A_201, %sub3A : vector<1024x1024xf32>
    %broadcast_in_dim3A_204 = vector.shape_cast %reduce_sum3A_198 : vector<1024xf32> to vector<1x1024xf32>
    %sub3A_205 = vector.broadcast %broadcast_in_dim3A_204 : vector<1x1024xf32> to vector<1024x1024xf32>
    %sub3A_206 = arith.subf %sub3A_203, %sub3A_205 : vector<1024x1024xf32>
    %get3A_207 = arith.constant 0 : index
    %get3A_208 = arith.constant 0 : index
    %get3A_209 = arith.constant 0 : index
    %get3A_210 = vector.load %arg6[%get3A_207, %get3A_208, %get3A_209] : memref<1x1x1024xf32, #tpu.memory_space<vmem>>, vector<1x1x1024xf32>
    %get3A_211 = vector.shape_cast %get3A_210 : vector<1x1x1024xf32> to vector<1x1024xf32>
    %gt3A = arith.constant 5.000000e-01 : f32
    %gt3A_212 = vector.broadcast %gt3A : f32 to vector<1x1024xf32>
    %gt3A_213 = arith.cmpf ogt, %get3A_211, %gt3A_212 : vector<1x1024xf32>
    %jit3A = arith.constant -1.000000e+09 : f32
    %broadcast_in_dim3A_214 = vector.shape_cast %gt3A_213 : vector<1x1024xi1> to vector<1x1024xi1>
    %broadcast_in_dim3A_215 = vector.broadcast %broadcast_in_dim3A_214 : vector<1x1024xi1> to vector<1024x1024xi1>
    %broadcast_in_dim3A_216 = vector.broadcast %jit3A : f32 to vector<1024x1024xf32>
    %select_n3A = arith.select %broadcast_in_dim3A_215, %sub3A_206, %broadcast_in_dim3A_216 : vector<1024x1024xi1>, vector<1024x1024xf32>
    %iota3A = tpu.iota {dimensions = array<i32: 1>} : vector<1024x1024xi32>
    %mul3A_217 = arith.constant 1024 : i32
    %mul3A_218 = arith.muli %arg0, %mul3A_217 : i32
    %reduce_max3A = arith.constant dense<0xFF800000> : vector<1024xf32>
    %reduce_max3A_219 = vector.multi_reduction <maximumf>, %select_n3A, %reduce_max3A [1] : vector<1024x1024xf32> to vector<1024xf32>
    %broadcast_in_dim3A_220 = vector.shape_cast %reduce_max3A_219 : vector<1024xf32> to vector<1024x1xf32>
    %eq3A = vector.broadcast %broadcast_in_dim3A_220 : vector<1024x1xf32> to vector<1024x1024xf32>
    %eq3A_221 = arith.cmpf oeq, %select_n3A, %eq3A : vector<1024x1024xf32>
    %jit3A_222 = arith.constant 1024 : i32
    %broadcast_in_dim3A_223 = vector.broadcast %jit3A_222 : i32 to vector<1024x1024xi32>
    %select_n3A_224 = arith.select %eq3A_221, %iota3A, %broadcast_in_dim3A_223 : vector<1024x1024xi1>, vector<1024x1024xi32>
    %reduce_min3A = arith.constant dense<2147483647> : vector<1024xi32>
    %reduce_min3A_225 = vector.multi_reduction <minsi>, %select_n3A_224, %reduce_min3A [1] : vector<1024x1024xi32> to vector<1024xi32>
    %add3A_226 = vector.broadcast %mul3A_218 : i32 to vector<1024xi32>
    %add3A_227 = arith.addi %reduce_min3A_225, %add3A_226 : vector<1024xi32>
    %swap3A_228 = arith.constant 0 : index
    %swap3A_229 = arith.constant 0 : index
    %swap3A_230 = arith.constant 0 : index
    %swap3A_231 = arith.constant 0 : index
    %swap3A_232 = vector.load %arg27[%swap3A_228, %swap3A_229, %swap3A_230, %swap3A_231] : memref<3x1x1x1024xi32, #tpu.memory_space<vmem>>, vector<1x1x1x1024xi32>
    %swap3A_233 = vector.shape_cast %swap3A_232 : vector<1x1x1x1024xi32> to vector<1024xi32>
    %swap3A_234 = vector.shape_cast %add3A_227 : vector<1024xi32> to vector<1x1x1x1024xi32>
    tpu.vector_store %arg27[%swap3A_228, %swap3A_229, %swap3A_230, %swap3A_231], %swap3A_234 {strides = array<i32>} : memref<3x1x1x1024xi32, #tpu.memory_space<vmem>>, vector<1x1x1x1024xi32>,
    %broadcast_in_dim3A_235 = vector.shape_cast %reduce_min3A_225 : vector<1024xi32> to vector<1024x1xi32>
    %eq3A_236 = vector.broadcast %broadcast_in_dim3A_235 : vector<1024x1xi32> to vector<1024x1024xi32>
    %eq3A_237 = arith.cmpi eq, %iota3A, %eq3A_236 : vector<1024x1024xi32>
    %jit3A_238 = arith.constant 0xFF800000 : f32
    %broadcast_in_dim3A_239 = vector.broadcast %jit3A_238 : f32 to vector<1024x1024xf32>
    %select_n3A_240 = arith.select %eq3A_237, %broadcast_in_dim3A_239, %select_n3A : vector<1024x1024xi1>, vector<1024x1024xf32>
    %reduce_max3A_241 = arith.constant dense<0xFF800000> : vector<1024xf32>
    %reduce_max3A_242 = vector.multi_reduction <maximumf>, %select_n3A_240, %reduce_max3A_241 [1] : vector<1024x1024xf32> to vector<1024xf32>
    %broadcast_in_dim3A_243 = vector.shape_cast %reduce_max3A_242 : vector<1024xf32> to vector<1024x1xf32>
    %eq3A_244 = vector.broadcast %broadcast_in_dim3A_243 : vector<1024x1xf32> to vector<1024x1024xf32>
    %eq3A_245 = arith.cmpf oeq, %select_n3A_240, %eq3A_244 : vector<1024x1024xf32>
    %jit3A_246 = arith.constant 1024 : i32
    %broadcast_in_dim3A_247 = vector.broadcast %jit3A_246 : i32 to vector<1024x1024xi32>
    %select_n3A_248 = arith.select %eq3A_245, %iota3A, %broadcast_in_dim3A_247 : vector<1024x1024xi1>, vector<1024x1024xi32>
    %reduce_min3A_249 = arith.constant dense<2147483647> : vector<1024xi32>
    %reduce_min3A_250 = vector.multi_reduction <minsi>, %select_n3A_248, %reduce_min3A_249 [1] : vector<1024x1024xi32> to vector<1024xi32>
    %add3A_251 = vector.broadcast %mul3A_218 : i32 to vector<1024xi32>
    %add3A_252 = arith.addi %reduce_min3A_250, %add3A_251 : vector<1024xi32>
    %swap3A_253 = arith.constant 1 : index
    %swap3A_254 = arith.constant 0 : index
    %swap3A_255 = arith.constant 0 : index
    %swap3A_256 = arith.constant 0 : index
    %swap3A_257 = vector.load %arg27[%swap3A_253, %swap3A_254, %swap3A_255, %swap3A_256] : memref<3x1x1x1024xi32, #tpu.memory_space<vmem>>, vector<1x1x1x1024xi32>
    %swap3A_258 = vector.shape_cast %swap3A_257 : vector<1x1x1x1024xi32> to vector<1024xi32>
    %swap3A_259 = vector.shape_cast %add3A_252 : vector<1024xi32> to vector<1x1x1x1024xi32>
    tpu.vector_store %arg27[%swap3A_253, %swap3A_254, %swap3A_255, %swap3A_256], %swap3A_259 {strides = array<i32>} : memref<3x1x1x1024xi32, #tpu.memory_space<vmem>>, vector<1x1x1x1024xi32>,
    %broadcast_in_dim3A_260 = vector.shape_cast %reduce_min3A_250 : vector<1024xi32> to vector<1024x1xi32>
    %eq3A_261 = vector.broadcast %broadcast_in_dim3A_260 : vector<1024x1xi32> to vector<1024x1024xi32>
    %eq3A_262 = arith.cmpi eq, %iota3A, %eq3A_261 : vector<1024x1024xi32>
    %jit3A_263 = arith.constant 0xFF800000 : f32
    %broadcast_in_dim3A_264 = vector.broadcast %jit3A_263 : f32 to vector<1024x1024xf32>
    %select_n3A_265 = arith.select %eq3A_262, %broadcast_in_dim3A_264, %select_n3A_240 : vector<1024x1024xi1>, vector<1024x1024xf32>
    %reduce_max3A_266 = arith.constant dense<0xFF800000> : vector<1024xf32>
    %reduce_max3A_267 = vector.multi_reduction <maximumf>, %select_n3A_265, %reduce_max3A_266 [1] : vector<1024x1024xf32> to vector<1024xf32>
    %broadcast_in_dim3A_268 = vector.shape_cast %reduce_max3A_267 : vector<1024xf32> to vector<1024x1xf32>
    %eq3A_269 = vector.broadcast %broadcast_in_dim3A_268 : vector<1024x1xf32> to vector<1024x1024xf32>
    %eq3A_270 = arith.cmpf oeq, %select_n3A_265, %eq3A_269 : vector<1024x1024xf32>
    %jit3A_271 = arith.constant 1024 : i32
    %broadcast_in_dim3A_272 = vector.broadcast %jit3A_271 : i32 to vector<1024x1024xi32>
    %select_n3A_273 = arith.select %eq3A_270, %iota3A, %broadcast_in_dim3A_272 : vector<1024x1024xi1>, vector<1024x1024xi32>
    %reduce_min3A_274 = arith.constant dense<2147483647> : vector<1024xi32>
    %reduce_min3A_275 = vector.multi_reduction <minsi>, %select_n3A_273, %reduce_min3A_274 [1] : vector<1024x1024xi32> to vector<1024xi32>
    %add3A_276 = vector.broadcast %mul3A_218 : i32 to vector<1024xi32>
    %add3A_277 = arith.addi %reduce_min3A_275, %add3A_276 : vector<1024xi32>
    %swap3A_278 = arith.constant 2 : index
    %swap3A_279 = arith.constant 0 : index
    %swap3A_280 = arith.constant 0 : index
    %swap3A_281 = arith.constant 0 : index
    %swap3A_282 = vector.load %arg27[%swap3A_278, %swap3A_279, %swap3A_280, %swap3A_281] : memref<3x1x1x1024xi32, #tpu.memory_space<vmem>>, vector<1x1x1x1024xi32>
    %swap3A_283 = vector.shape_cast %swap3A_282 : vector<1x1x1x1024xi32> to vector<1024xi32>
    %swap3A_284 = vector.shape_cast %add3A_277 : vector<1024xi32> to vector<1x1x1x1024xi32>
    tpu.vector_store %arg27[%swap3A_278, %swap3A_279, %swap3A_280, %swap3A_281], %swap3A_284 {strides = array<i32>} : memref<3x1x1x1024xi32, #tpu.memory_space<vmem>>, vector<1x1x1x1024xi32>,
    return
  }
  func.func @transform_0(%arg0: i32) -> (i32, i32) {
    %add3A = arith.constant 0 : i32
    %add3A_0 = arith.addi %add3A, %arg0 : i32
    %c0_i32 = arith.constant 0 : i32
    %c0_i32_1 = arith.constant 0 : i32
    return %add3A_0, %c0_i32 : i32, i32
  }
  func.func @transform_1(%arg0: i32) -> (i32, i32) {
    %add3A = arith.constant 4 : i32
    %add3A_0 = arith.addi %add3A, %arg0 : i32
    %c0_i32 = arith.constant 0 : i32
    %c0_i32_1 = arith.constant 0 : i32
    return %add3A_0, %c0_i32 : i32, i32
  }
  func.func @transform_2(%arg0: i32) -> (i32, i32) {
    %add3A = arith.constant 8 : i32
    %add3A_0 = arith.addi %add3A, %arg0 : i32
    %c0_i32 = arith.constant 0 : i32
    %c0_i32_1 = arith.constant 0 : i32
    return %add3A_0, %c0_i32 : i32, i32
  }
  func.func @transform_3(%arg0: i32) -> (i32, i32, i32) {
    %c0_i32 = arith.constant 0 : i32
    %c0_i32_0 = arith.constant 0 : i32
    %c0_i32_1 = arith.constant 0 : i32
    return %arg0, %c0_i32, %c0_i32_0 : i32, i32, i32
  }
  func.func @transform_4(%arg0: i32) -> (i32, i32, i32) {
    %c0_i32 = arith.constant 0 : i32
    %c0_i32_0 = arith.constant 0 : i32
    %c0_i32_1 = arith.constant 0 : i32
    return %arg0, %c0_i32, %c0_i32_0 : i32, i32, i32
  }
  func.func @transform_5(%arg0: i32) -> (i32, i32, i32) {
    %c0_i32 = arith.constant 0 : i32
    %c0_i32_0 = arith.constant 0 : i32
    %c0_i32_1 = arith.constant 0 : i32
    return %arg0, %c0_i32, %c0_i32_0 : i32, i32, i32
  }
  func.func @transform_6(%arg0: i32) -> (i32, i32) {
    %c0_i32 = arith.constant 0 : i32
    %c0_i32_0 = arith.constant 0 : i32
    %c0_i32_1 = arith.constant 0 : i32
    return %c0_i32, %c0_i32_0 : i32, i32
  }
  func.func @transform_7(%arg0: i32) -> (i32, i32) {
    %c0_i32 = arith.constant 0 : i32
    %c0_i32_0 = arith.constant 0 : i32
    %c0_i32_1 = arith.constant 0 : i32
    return %c0_i32, %c0_i32_0 : i32, i32
  }
  func.func @transform_8(%arg0: i32) -> (i32, i32) {
    %c0_i32 = arith.constant 0 : i32
    %c0_i32_0 = arith.constant 0 : i32
    %c0_i32_1 = arith.constant 0 : i32
    return %c0_i32, %c0_i32_0 : i32, i32
  }
  func.func @transform_9(%arg0: i32) -> (i32, i32) {
    %c0_i32 = arith.constant 0 : i32
    %c0_i32_0 = arith.constant 0 : i32
    %c0_i32_1 = arith.constant 0 : i32
    return %c0_i32, %c0_i32_0 : i32, i32
  }
  func.func @transform_10(%arg0: i32) -> (i32, i32) {
    %c0_i32 = arith.constant 0 : i32
    %c0_i32_0 = arith.constant 0 : i32
    %c0_i32_1 = arith.constant 0 : i32
    return %c0_i32, %c0_i32_0 : i32, i32
  }
  func.func @transform_11(%arg0: i32) -> (i32, i32) {
    %c0_i32 = arith.constant 0 : i32
    %c0_i32_0 = arith.constant 0 : i32
    %c0_i32_1 = arith.constant 0 : i32
    return %c0_i32, %c0_i32_0 : i32, i32
  }
  func.func @transform_12(%arg0: i32) -> (i32, i32) {
    %c0_i32 = arith.constant 0 : i32
    %c0_i32_0 = arith.constant 0 : i32
    %c0_i32_1 = arith.constant 0 : i32
    return %c0_i32, %c0_i32_0 : i32, i32
  }
  func.func @transform_13(%arg0: i32) -> (i32, i32) {
    %c0_i32 = arith.constant 0 : i32
    %c0_i32_0 = arith.constant 0 : i32
    %c0_i32_1 = arith.constant 0 : i32
    return %c0_i32, %c0_i32_0 : i32, i32
  }
  func.func @transform_14(%arg0: i32) -> (i32, i32) {
    %c0_i32 = arith.constant 0 : i32
    %c0_i32_0 = arith.constant 0 : i32
    %c0_i32_1 = arith.constant 0 : i32
    return %c0_i32, %c0_i32_0 : i32, i32
  }
  func.func @transform_15(%arg0: i32) -> (i32, i32) {
    %c0_i32 = arith.constant 0 : i32
    %c0_i32_0 = arith.constant 0 : i32
    %c0_i32_1 = arith.constant 0 : i32
    return %c0_i32, %c0_i32_0 : i32, i32
  }
  func.func @transform_16(%arg0: i32) -> (i32, i32) {
    %c0_i32 = arith.constant 0 : i32
    %c0_i32_0 = arith.constant 0 : i32
    %c0_i32_1 = arith.constant 0 : i32
    return %c0_i32, %c0_i32_0 : i32, i32
  }
  func.func @transform_17(%arg0: i32) -> (i32, i32) {
    %c0_i32 = arith.constant 0 : i32
    %c0_i32_0 = arith.constant 0 : i32
    %c0_i32_1 = arith.constant 0 : i32
    return %c0_i32, %c0_i32_0 : i32, i32
  }
  func.func @transform_18(%arg0: i32) -> (i32, i32) {
    %c0_i32 = arith.constant 0 : i32
    %c0_i32_0 = arith.constant 0 : i32
    %c0_i32_1 = arith.constant 0 : i32
    return %c0_i32, %c0_i32_0 : i32, i32
  }
  func.func @transform_19(%arg0: i32) -> (i32, i32) {
    %c0_i32 = arith.constant 0 : i32
    %c0_i32_0 = arith.constant 0 : i32
    %c0_i32_1 = arith.constant 0 : i32
    return %c0_i32, %c0_i32_0 : i32, i32
  }
  func.func @transform_20(%arg0: i32) -> (i32, i32) {
    %c0_i32 = arith.constant 0 : i32
    %c0_i32_0 = arith.constant 0 : i32
    %c0_i32_1 = arith.constant 0 : i32
    return %c0_i32, %c0_i32_0 : i32, i32
  }
  func.func @transform_21(%arg0: i32) -> (i32, i32) {
    %c0_i32 = arith.constant 0 : i32
    %c0_i32_0 = arith.constant 0 : i32
    %c0_i32_1 = arith.constant 0 : i32
    return %c0_i32, %c0_i32_0 : i32, i32
  }
  func.func @transform_22(%arg0: i32) -> (i32, i32) {
    %c0_i32 = arith.constant 0 : i32
    %c0_i32_0 = arith.constant 0 : i32
    %c0_i32_1 = arith.constant 0 : i32
    return %c0_i32, %c0_i32_0 : i32, i32
  }
  func.func @transform_23(%arg0: i32) -> (i32, i32, i32) {
    %c0_i32 = arith.constant 0 : i32
    %c0_i32_0 = arith.constant 0 : i32
    %c0_i32_1 = arith.constant 0 : i32
    return %arg0, %c0_i32, %c0_i32_0 : i32, i32, i32
  }
  func.func @transform_24(%arg0: i32) -> (i32, i32, i32) {
    %c0_i32 = arith.constant 0 : i32
    %c0_i32_0 = arith.constant 0 : i32
    %c0_i32_1 = arith.constant 0 : i32
    return %arg0, %c0_i32, %c0_i32_0 : i32, i32, i32
  }
  func.func @transform_25(%arg0: i32) -> (i32, i32, i32) {
    %c0_i32 = arith.constant 0 : i32
    %c0_i32_0 = arith.constant 0 : i32
    %c0_i32_1 = arith.constant 0 : i32
    return %arg0, %c0_i32, %c0_i32_0 : i32, i32, i32
  }
  func.func @transform_26(%arg0: i32) -> (i32, i32, i32, i32) {
    %c0_i32 = arith.constant 0 : i32
    %c0_i32_0 = arith.constant 0 : i32
    %c0_i32_1 = arith.constant 0 : i32
    %c0_i32_2 = arith.constant 0 : i32
    return %c0_i32, %arg0, %c0_i32_0, %c0_i32_1 : i32, i32, i32, i32
  }
}

module attributes {stable_mosaic.version = 14 : i64} {
  func.func @_kp3_body(%arg0: i32, %arg1: memref<1024x1024xf32, #tpu.memory_space<vmem>>, %arg2: memref<1024x128xf32, #tpu.memory_space<vmem>>, %arg3: memref<1024x128xf32, #tpu.memory_space<vmem>>, %arg4: memref<1024x128xf32, #tpu.memory_space<vmem>>, %arg5: memref<1x1024x128xf32, #tpu.memory_space<vmem>>, %arg6: memref<1x1024x256xf32, #tpu.memory_space<vmem>>, %arg7: memref<128x128xf32, #tpu.memory_space<vmem>>, %arg8: memref<256x128xf32, #tpu.memory_space<vmem>>, %arg9: memref<1x128xf32, #tpu.memory_space<vmem>>, %arg10: memref<1x256x1024xf32, #tpu.memory_space<vmem>>) attributes {dimension_semantics = [#tpu.dimension_semantics<parallel>], iteration_bounds = array<i64: 4>, scalar_prefetch = 0 : i64, scratch_operands = 0 : i64, tpu.core_type = #tpu.core_type<tc>, window_params = [{pipeline_mode = #tpu.pipeline_mode<synchronous>, transform_indices = @transform_0, window_bounds = array<i64: 1024, 1024>}, {transform_indices = @transform_1, window_bounds = array<i64: 1024, 128>}, {transform_indices = @transform_2, window_bounds = array<i64: 1024, 128>}, {transform_indices = @transform_3, window_bounds = array<i64: 1024, 128>}, {transform_indices = @transform_4, window_bounds = array<i64: 1, 1024, 128>}, {transform_indices = @transform_5, window_bounds = array<i64: 1, 1024, 256>}, {pipeline_mode = #tpu.pipeline_mode<synchronous>, transform_indices = @transform_6, window_bounds = array<i64: 128, 128>}, {pipeline_mode = #tpu.pipeline_mode<synchronous>, transform_indices = @transform_7, window_bounds = array<i64: 256, 128>}, {pipeline_mode = #tpu.pipeline_mode<synchronous>, transform_indices = @transform_8, window_bounds = array<i64: 1, 128>}, {transform_indices = @transform_9, window_bounds = array<i64: 1, 256, 1024>}]} {
    %get3A = arith.constant 0 : index
    %get3A_0 = arith.constant 0 : index
    %get3A_1 = arith.constant 0 : index
    %get3A_2 = vector.load %arg5[%get3A, %get3A_0, %get3A_1] : memref<1x1024x128xf32, #tpu.memory_space<vmem>>, vector<1x1024x128xf32>
    %get3A_3 = vector.shape_cast %get3A_2 : vector<1x1024x128xf32> to vector<1024x128xf32>
    %get3A_4 = arith.constant 0 : index
    %get3A_5 = arith.constant 0 : index
    %get3A_6 = vector.load %arg2[%get3A_4, %get3A_5] : memref<1024x128xf32, #tpu.memory_space<vmem>>, vector<1024x128xf32>
    %add3A = arith.addf %get3A_6, %get3A_3 : vector<1024x128xf32>
    %max3A = arith.constant 0.000000e+00 : f32
    %max3A_7 = vector.broadcast %max3A : f32 to vector<1024x128xf32>
    %max3A_8 = arith.maximumf %add3A, %max3A_7 : vector<1024x128xf32>
    %get3A_9 = arith.constant 0 : index
    %get3A_10 = arith.constant 0 : index
    %get3A_11 = vector.load %arg7[%get3A_9, %get3A_10] : memref<128x128xf32, #tpu.memory_space<vmem>>, vector<128x128xf32>
    %convert_element_type3A = arith.truncf %max3A_8 : vector<1024x128xf32> to vector<1024x128xbf16>
    %convert_element_type3A_12 = arith.truncf %get3A_11 : vector<128x128xf32> to vector<128x128xbf16>
    %dot_general3A = arith.constant dense<0.000000e+00> : vector<1024x128xf32>
    %dot_general3A_13 = tpu.matmul %convert_element_type3A, %convert_element_type3A_12, %dot_general3A {dimension_numbers = #tpu.dot_dimension_numbers<[1], [1], [0], [0], [0, 0, 1, 0], [], []>, transpose_lhs_hint = false} : vector<1024x128xbf16>, vector<128x128xbf16>, vector<1024x128xf32> -> vector<1024x128xf32>
    %get3A_14 = arith.constant 0 : index
    %get3A_15 = arith.constant 0 : index
    %get3A_16 = vector.load %arg9[%get3A_14, %get3A_15] : memref<1x128xf32, #tpu.memory_space<vmem>>, vector<1x128xf32>
    %add3A_17 = vector.broadcast %get3A_16 : vector<1x128xf32> to vector<1024x128xf32>
    %add3A_18 = arith.addf %dot_general3A_13, %add3A_17 : vector<1024x128xf32>
    %max3A_19 = arith.constant 0.000000e+00 : f32
    %max3A_20 = vector.broadcast %max3A_19 : f32 to vector<1024x128xf32>
    %max3A_21 = arith.maximumf %add3A_18, %max3A_20 : vector<1024x128xf32>
    %get3A_22 = arith.constant 0 : index
    %get3A_23 = arith.constant 0 : index
    %get3A_24 = vector.load %arg8[%get3A_22, %get3A_23] : memref<256x128xf32, #tpu.memory_space<vmem>>, vector<256x128xf32>
    %convert_element_type3A_25 = arith.truncf %max3A_21 : vector<1024x128xf32> to vector<1024x128xbf16>
    %convert_element_type3A_26 = arith.truncf %get3A_24 : vector<256x128xf32> to vector<256x128xbf16>
    %dot_general3A_27 = arith.constant dense<0.000000e+00> : vector<1024x256xf32>
    %dot_general3A_28 = tpu.matmul %convert_element_type3A_25, %convert_element_type3A_26, %dot_general3A_27 {dimension_numbers = #tpu.dot_dimension_numbers<[1], [1], [0], [0], [0, 0, 1, 0], [], []>, transpose_lhs_hint = false} : vector<1024x128xbf16>, vector<256x128xbf16>, vector<1024x256xf32> -> vector<1024x256xf32>
    %get3A_29 = arith.constant 0 : index
    %get3A_30 = arith.constant 0 : index
    %get3A_31 = vector.load %arg3[%get3A_29, %get3A_30] : memref<1024x128xf32, #tpu.memory_space<vmem>>, vector<1024x128xf32>
    %add3A_32 = arith.addf %get3A_31, %get3A_3 : vector<1024x128xf32>
    %max3A_33 = arith.constant 0.000000e+00 : f32
    %max3A_34 = vector.broadcast %max3A_33 : f32 to vector<1024x128xf32>
    %max3A_35 = arith.maximumf %add3A_32, %max3A_34 : vector<1024x128xf32>
    %get3A_36 = arith.constant 0 : index
    %get3A_37 = arith.constant 0 : index
    %get3A_38 = vector.load %arg7[%get3A_36, %get3A_37] : memref<128x128xf32, #tpu.memory_space<vmem>>, vector<128x128xf32>
    %convert_element_type3A_39 = arith.truncf %max3A_35 : vector<1024x128xf32> to vector<1024x128xbf16>
    %convert_element_type3A_40 = arith.truncf %get3A_38 : vector<128x128xf32> to vector<128x128xbf16>
    %dot_general3A_41 = arith.constant dense<0.000000e+00> : vector<1024x128xf32>
    %dot_general3A_42 = tpu.matmul %convert_element_type3A_39, %convert_element_type3A_40, %dot_general3A_41 {dimension_numbers = #tpu.dot_dimension_numbers<[1], [1], [0], [0], [0, 0, 1, 0], [], []>, transpose_lhs_hint = false} : vector<1024x128xbf16>, vector<128x128xbf16>, vector<1024x128xf32> -> vector<1024x128xf32>
    %get3A_43 = arith.constant 0 : index
    %get3A_44 = arith.constant 0 : index
    %get3A_45 = vector.load %arg9[%get3A_43, %get3A_44] : memref<1x128xf32, #tpu.memory_space<vmem>>, vector<1x128xf32>
    %add3A_46 = vector.broadcast %get3A_45 : vector<1x128xf32> to vector<1024x128xf32>
    %add3A_47 = arith.addf %dot_general3A_42, %add3A_46 : vector<1024x128xf32>
    %max3A_48 = arith.constant 0.000000e+00 : f32
    %max3A_49 = vector.broadcast %max3A_48 : f32 to vector<1024x128xf32>
    %max3A_50 = arith.maximumf %add3A_47, %max3A_49 : vector<1024x128xf32>
    %get3A_51 = arith.constant 0 : index
    %get3A_52 = arith.constant 0 : index
    %get3A_53 = vector.load %arg8[%get3A_51, %get3A_52] : memref<256x128xf32, #tpu.memory_space<vmem>>, vector<256x128xf32>
    %convert_element_type3A_54 = arith.truncf %max3A_50 : vector<1024x128xf32> to vector<1024x128xbf16>
    %convert_element_type3A_55 = arith.truncf %get3A_53 : vector<256x128xf32> to vector<256x128xbf16>
    %dot_general3A_56 = arith.constant dense<0.000000e+00> : vector<1024x256xf32>
    %dot_general3A_57 = tpu.matmul %convert_element_type3A_54, %convert_element_type3A_55, %dot_general3A_56 {dimension_numbers = #tpu.dot_dimension_numbers<[1], [1], [0], [0], [0, 0, 1, 0], [], []>, transpose_lhs_hint = false} : vector<1024x128xbf16>, vector<256x128xbf16>, vector<1024x256xf32> -> vector<1024x256xf32>
    %max3A_58 = arith.maximumf %dot_general3A_28, %dot_general3A_57 : vector<1024x256xf32>
    %get3A_59 = arith.constant 0 : index
    %get3A_60 = arith.constant 0 : index
    %get3A_61 = vector.load %arg4[%get3A_59, %get3A_60] : memref<1024x128xf32, #tpu.memory_space<vmem>>, vector<1024x128xf32>
    %add3A_62 = arith.addf %get3A_61, %get3A_3 : vector<1024x128xf32>
    %max3A_63 = arith.constant 0.000000e+00 : f32
    %max3A_64 = vector.broadcast %max3A_63 : f32 to vector<1024x128xf32>
    %max3A_65 = arith.maximumf %add3A_62, %max3A_64 : vector<1024x128xf32>
    %get3A_66 = arith.constant 0 : index
    %get3A_67 = arith.constant 0 : index
    %get3A_68 = vector.load %arg7[%get3A_66, %get3A_67] : memref<128x128xf32, #tpu.memory_space<vmem>>, vector<128x128xf32>
    %convert_element_type3A_69 = arith.truncf %max3A_65 : vector<1024x128xf32> to vector<1024x128xbf16>
    %convert_element_type3A_70 = arith.truncf %get3A_68 : vector<128x128xf32> to vector<128x128xbf16>
    %dot_general3A_71 = arith.constant dense<0.000000e+00> : vector<1024x128xf32>
    %dot_general3A_72 = tpu.matmul %convert_element_type3A_69, %convert_element_type3A_70, %dot_general3A_71 {dimension_numbers = #tpu.dot_dimension_numbers<[1], [1], [0], [0], [0, 0, 1, 0], [], []>, transpose_lhs_hint = false} : vector<1024x128xbf16>, vector<128x128xbf16>, vector<1024x128xf32> -> vector<1024x128xf32>
    %get3A_73 = arith.constant 0 : index
    %get3A_74 = arith.constant 0 : index
    %get3A_75 = vector.load %arg9[%get3A_73, %get3A_74] : memref<1x128xf32, #tpu.memory_space<vmem>>, vector<1x128xf32>
    %add3A_76 = vector.broadcast %get3A_75 : vector<1x128xf32> to vector<1024x128xf32>
    %add3A_77 = arith.addf %dot_general3A_72, %add3A_76 : vector<1024x128xf32>
    %max3A_78 = arith.constant 0.000000e+00 : f32
    %max3A_79 = vector.broadcast %max3A_78 : f32 to vector<1024x128xf32>
    %max3A_80 = arith.maximumf %add3A_77, %max3A_79 : vector<1024x128xf32>
    %get3A_81 = arith.constant 0 : index
    %get3A_82 = arith.constant 0 : index
    %get3A_83 = vector.load %arg8[%get3A_81, %get3A_82] : memref<256x128xf32, #tpu.memory_space<vmem>>, vector<256x128xf32>
    %convert_element_type3A_84 = arith.truncf %max3A_80 : vector<1024x128xf32> to vector<1024x128xbf16>
    %convert_element_type3A_85 = arith.truncf %get3A_83 : vector<256x128xf32> to vector<256x128xbf16>
    %dot_general3A_86 = arith.constant dense<0.000000e+00> : vector<1024x256xf32>
    %dot_general3A_87 = tpu.matmul %convert_element_type3A_84, %convert_element_type3A_85, %dot_general3A_86 {dimension_numbers = #tpu.dot_dimension_numbers<[1], [1], [0], [0], [0, 0, 1, 0], [], []>, transpose_lhs_hint = false} : vector<1024x128xbf16>, vector<256x128xbf16>, vector<1024x256xf32> -> vector<1024x256xf32>
    %max3A_88 = arith.maximumf %max3A_58, %dot_general3A_87 : vector<1024x256xf32>
    %get3A_89 = arith.constant 0 : index
    %get3A_90 = arith.constant 0 : index
    %get3A_91 = arith.constant 0 : index
    %get3A_92 = vector.load %arg6[%get3A_89, %get3A_90, %get3A_91] : memref<1x1024x256xf32, #tpu.memory_space<vmem>>, vector<1x1024x256xf32>
    %get3A_93 = vector.shape_cast %get3A_92 : vector<1x1024x256xf32> to vector<1024x256xf32>
    %add3A_94 = arith.addf %get3A_93, %max3A_88 : vector<1024x256xf32>
    %max3A_95 = arith.constant 0.000000e+00 : f32
    %max3A_96 = vector.broadcast %max3A_95 : f32 to vector<1024x256xf32>
    %max3A_97 = arith.maximumf %add3A_94, %max3A_96 : vector<1024x256xf32>
    %get3A_98 = arith.constant 0 : index
    %get3A_99 = arith.constant 0 : index
    %get3A_100 = vector.load %arg1[%get3A_98, %get3A_99] : memref<1024x1024xf32, #tpu.memory_space<vmem>>, vector<1024x1024xf32>
    %dot_general3A_101 = arith.constant dense<0.000000e+00> : vector<256x1024xf32>
    %dot_general3A_102 = tpu.matmul %max3A_97, %get3A_100, %dot_general3A_101 {dimension_numbers = #tpu.dot_dimension_numbers<[0], [0], [1], [1], [0, 1, 1, 1], [], []>, transpose_lhs_hint = false} : vector<1024x256xf32>, vector<1024x1024xf32>, vector<256x1024xf32> -> vector<256x1024xf32>
    %swap3A = arith.constant 0 : index
    %swap3A_103 = arith.constant 0 : index
    %swap3A_104 = arith.constant 0 : index
    %swap3A_105 = vector.load %arg10[%swap3A, %swap3A_103, %swap3A_104] : memref<1x256x1024xf32, #tpu.memory_space<vmem>>, vector<1x256x1024xf32>
    %swap3A_106 = vector.shape_cast %swap3A_105 : vector<1x256x1024xf32> to vector<256x1024xf32>
    %swap3A_107 = vector.shape_cast %dot_general3A_102 : vector<256x1024xf32> to vector<1x256x1024xf32>
    tpu.vector_store %arg10[%swap3A, %swap3A_103, %swap3A_104], %swap3A_107 {strides = array<i32>} : memref<1x256x1024xf32, #tpu.memory_space<vmem>>, vector<1x256x1024xf32>,
    return
  }
  func.func @transform_0(%arg0: i32) -> (i32, i32) {
    %c0_i32 = arith.constant 0 : i32
    %c0_i32_0 = arith.constant 0 : i32
    %c0_i32_1 = arith.constant 0 : i32
    return %c0_i32, %c0_i32_0 : i32, i32
  }
  func.func @transform_1(%arg0: i32) -> (i32, i32) {
    %add3A = arith.constant 0 : i32
    %add3A_0 = arith.addi %add3A, %arg0 : i32
    %c0_i32 = arith.constant 0 : i32
    %c0_i32_1 = arith.constant 0 : i32
    return %add3A_0, %c0_i32 : i32, i32
  }
  func.func @transform_2(%arg0: i32) -> (i32, i32) {
    %add3A = arith.constant 4 : i32
    %add3A_0 = arith.addi %add3A, %arg0 : i32
    %c0_i32 = arith.constant 0 : i32
    %c0_i32_1 = arith.constant 0 : i32
    return %add3A_0, %c0_i32 : i32, i32
  }
  func.func @transform_3(%arg0: i32) -> (i32, i32) {
    %add3A = arith.constant 8 : i32
    %add3A_0 = arith.addi %add3A, %arg0 : i32
    %c0_i32 = arith.constant 0 : i32
    %c0_i32_1 = arith.constant 0 : i32
    return %add3A_0, %c0_i32 : i32, i32
  }
  func.func @transform_4(%arg0: i32) -> (i32, i32, i32) {
    %c0_i32 = arith.constant 0 : i32
    %c0_i32_0 = arith.constant 0 : i32
    %c0_i32_1 = arith.constant 0 : i32
    return %arg0, %c0_i32, %c0_i32_0 : i32, i32, i32
  }
  func.func @transform_5(%arg0: i32) -> (i32, i32, i32) {
    %c0_i32 = arith.constant 0 : i32
    %c0_i32_0 = arith.constant 0 : i32
    %c0_i32_1 = arith.constant 0 : i32
    return %arg0, %c0_i32, %c0_i32_0 : i32, i32, i32
  }
  func.func @transform_6(%arg0: i32) -> (i32, i32) {
    %c0_i32 = arith.constant 0 : i32
    %c0_i32_0 = arith.constant 0 : i32
    %c0_i32_1 = arith.constant 0 : i32
    return %c0_i32, %c0_i32_0 : i32, i32
  }
  func.func @transform_7(%arg0: i32) -> (i32, i32) {
    %c0_i32 = arith.constant 0 : i32
    %c0_i32_0 = arith.constant 0 : i32
    %c0_i32_1 = arith.constant 0 : i32
    return %c0_i32, %c0_i32_0 : i32, i32
  }
  func.func @transform_8(%arg0: i32) -> (i32, i32) {
    %c0_i32 = arith.constant 0 : i32
    %c0_i32_0 = arith.constant 0 : i32
    %c0_i32_1 = arith.constant 0 : i32
    return %c0_i32, %c0_i32_0 : i32, i32
  }
  func.func @transform_9(%arg0: i32) -> (i32, i32, i32) {
    %c0_i32 = arith.constant 0 : i32
    %c0_i32_0 = arith.constant 0 : i32
    %c0_i32_1 = arith.constant 0 : i32
    return %arg0, %c0_i32, %c0_i32_0 : i32, i32, i32
  }
}

</mosaic_0001>

<sc_bundles>
// kernel: kernel.10.cloned.1.call-start
scs
__scs_entry_jumppad:
0x0: {  	(pc) =	sbr.rel $0x88, $3  }
0x1: {  	(tag) =	ssettag $0x0;
	lr =	simm.s32 $0x1  }
0x2: {  	[smem:$0x3F85] =	sst lr;
	_ =	strace $0xD0000000  }
0x3: {  	_ = 	snop  }
0x4: {  	_ = 	snop  }
0x5: {  	_ = 	snop  }
0x6: {  	_ = 	snop  }
0x7: {  	_ = 	snop  }
__scs_overlays_trampoline_lowered:
0x8: {  	[smem:$0x3F94] =	sst s0  }
0x9: {  	[smem:$0x3F95] =	sst s1  }
0xa: {  	[smem:$0x3F96] =	sst s2  }
0xb: {  	[smem:$0x3F97] =	sst s3  }
0xc: {  	[smem:$0x3F98] =	sst s4  }
0xd: {  	[smem:$0x3F99] =	sst s5  }
0xe: {  	[smem:$0x3F9A] =	sst s6  }
0xf: {  	[smem:$0x3F9B] =	sst s7  }
0x10: {  	[smem:$0x3F9C] =	sst s8  }
0x11: {  	[smem:$0x3F9D] =	sst s9;
	s0 =	simm.s32 @!p0 $0x0  }
0x12: {  	s1 =	sld [smem:$0x3F83];
	s0 =	simm.s32 @p0 $0x1  }
0x13: {  	[smem:$0x3F9E] =	sst s0;
	s0 =	simm.s32 @!p1 $0x0  }
0x14: {  	s2 =	sld [smem:$0x3F82];
	s0 =	simm.s32 @p1 $0x1  }
0x15: {  	[smem:$0x3F9F] =	sst s0;
	s0 =	simm.s32 @!p2 $0x0  }
0x16: {  	s3 =	sld [smem:$0x3FDB];
	s0 =	simm.s32 @p2 $0x1  }
0x17: {  	s4 =	simm.s32 $0x1BF5;
	[smem:$0x3FA1] =	sst s0  }
0x18: {  	s0 =	sld [smem:$0x3F84];
	_ =	swait.ge [sflag:s4], $0x0  }
0x19: {  	s7 =	sld [smem:$0x3F85]  }
0x1a: {  	s8 =	sadd.s32 $0xFFFFE003, lr  }
0x1b: {  	s9 =	sadd.s32 $0xFFFFFEF7, lr;
	s5 =	simm.s32 $0xFFFFFFFF;
	p2 =	slt.u32 s8, $0xFFFFF086  }
0x1c: {  	p1 =	slt.u32 s9, $0xF7A;
	s5 =	simm.s32 @!p2 $0x0  }
0x1d: {  	s5 =	simm.s32 @p1 $0x1;
	p0 =	seq.s32 s7, s2  }
0x1e: {  	s7 =	smul.u32 @!p0 $0xF7A, s2;
	p2 =	seq.s32 @!p0 s5, $0x0  }
0x1f: {  	s9 =	smul.u32 $0xF7A, s1;
	s8 =	simm.s32 @!p0 $0x1BF5;
	p2 =	por !p2, p0  }
0x20: {  	[sflag:s8] =	ssyncset.s32 @!p0 $0xFFFFF086;
	s6 =	sadd.s32 @!p0 s3, s7;
	s7 =	simm.s32 @!p0 $0x108  }
0x21: {  	s3 =	sadd.s32 s3, s9;
	s6 =	sadd.s32 @!p0 $0x88, s6;
	s7 =	simm.s32 @p2 $0x1082  }
0x22: {  	[simem:s7], [sflag:s8] =	dma.local @!p0 [hbm:s6], $0xF7A  }
0x23: {  	s9 =	sor.u32 $0xD0000000, s2;
	s6 =	simm.s32 $0x108;
	_ =	swait.ge @!p0 [sflag:s8], $0x0  }
0x24: {  	s3 =	sadd.s32 $0x88, s3;
	s6 =	simm.s32 @!p1 $0x1082;
	[sflag:s4] =	ssyncset.s32 $0xFFFFF086  }
0x25: {  	[simem:s6], [sflag:s4] =	dma.local [hbm:s3], $0xF7A  }
0x26: {  	[smem:$0x3F85] =	sst s1;
	(tag) =	ssettag s2;
	_ =	strace s9  }
0x27: {  	s1 =	sld [smem:$0x3F95]  }
0x28: {  	s2 =	sld [smem:$0x3F96]  }
0x29: {  	s4 =	sld [smem:$0x3F98]  }
0x2a: {  	p0 =	seq.s32 s5, $0x0;
	s5 =	sld [smem:$0x3F99]  }
0x2b: {  	s6 =	sld [smem:$0x3F9A]  }
0x2c: {  	s7 =	sld [smem:$0x3F9B]  }
0x2d: {  	s3 =	simm.s32 $0x108;
	s8 =	sld [smem:$0x3F9C]  }
0x2e: {  	s3 =	simm.s32 @!p0 $0x1082;
	s9 =	sld [smem:$0x3F9D]  }
0x2f: {  	lr =	sadd.s32 s0, s3;
	s0 =	sld [smem:$0x3F94]  }
0x30: {  	s3 =	sld [smem:$0x3F97]  }
0x31: {  	[smem:$0x3FA0] =	sst s10  }
0x32: {  	s10 =	sld [smem:$0x3F9E];
	_ =	sdelay $0x3  }
0x33: {  	p0 =	seq.s32 s10, $0x1;
	s10 =	sld [smem:$0x3FA0];
	_ =	sdelay $0x3  }
0x34: {  	[smem:$0x3FA0] =	sst s10  }
0x35: {  	s10 =	sld [smem:$0x3F9F];
	_ =	sdelay $0x3  }
0x36: {  	p1 =	seq.s32 s10, $0x1;
	s10 =	sld [smem:$0x3FA0];
	_ =	sdelay $0x3  }
0x37: {  	[smem:$0x3FA0] =	sst s10  }
0x38: {  	s10 =	sld [smem:$0x3FA1]  }
0x39: {  	_ = 	snop;
	(pc) =	sbr.ind lr, $3  }
0x3a: {  	_ = 	snop  }
0x3b: {  	_ = 	snop  }
0x3c: {  	p2 =	seq.s32 s10, $0x1;
	s10 =	sld [smem:$0x3FA0]  }
0x3d: {  	_ =	shalt  }
0x3e: {  	_ =	shalt  }
0x3f: {  	_ =	shalt  }
0x40: {  	_ =	shalt  }
0x41: {  	_ =	shalt  }
0x42: {  	_ =	shalt  }
0x43: {  	_ =	shalt  }
0x44: {  	_ =	shalt  }
0x45: {  	_ =	shalt  }
0x46: {  	_ =	shalt  }
0x47: {  	_ =	shalt  }
0x48: {  	_ =	shalt  }
0x49: {  	_ =	shalt  }
0x4a: {  	_ =	shalt  }
0x4b: {  	_ =	shalt  }
0x4c: {  	_ =	shalt  }
0x4d: {  	_ =	shalt  }
0x4e: {  	_ =	shalt  }
0x4f: {  	_ =	shalt  }
0x50: {  	_ =	shalt  }
0x51: {  	_ =	shalt  }
0x52: {  	_ =	shalt  }
0x53: {  	_ =	shalt  }
0x54: {  	_ =	shalt  }
0x55: {  	_ =	shalt  }
0x56: {  	_ =	shalt  }
0x57: {  	_ =	shalt  }
0x58: {  	_ =	shalt  }
0x59: {  	_ =	shalt  }
0x5a: {  	_ =	shalt  }
0x5b: {  	_ =	shalt  }
0x5c: {  	_ =	shalt  }
0x5d: {  	_ =	shalt  }
0x5e: {  	_ =	shalt  }
0x5f: {  	_ =	shalt  }
0x60: {  	_ =	shalt  }
0x61: {  	_ =	shalt  }
0x62: {  	_ =	shalt  }
0x63: {  	_ =	shalt  }
0x64: {  	_ =	shalt  }
0x65: {  	_ =	shalt  }
0x66: {  	_ =	shalt  }
0x67: {  	_ =	shalt  }
0x68: {  	_ =	shalt  }
0x69: {  	_ =	shalt  }
0x6a: {  	_ =	shalt  }
0x6b: {  	_ =	shalt  }
0x6c: {  	_ =	shalt  }
0x6d: {  	_ =	shalt  }
0x6e: {  	_ =	shalt  }
0x6f: {  	_ =	shalt  }
0x70: {  	_ =	shalt  }
0x71: {  	_ =	shalt  }
0x72: {  	_ =	shalt  }
0x73: {  	_ =	shalt  }
0x74: {  	_ =	shalt  }
0x75: {  	_ =	shalt  }
0x76: {  	_ =	shalt  }
0x77: {  	_ =	shalt  }
0x78: {  	_ =	shalt  }
0x79: {  	_ =	shalt  }
0x7a: {  	_ =	shalt  }
0x7b: {  	_ =	shalt  }
0x7c: {  	_ =	shalt  }
0x7d: {  	_ =	shalt  }
0x7e: {  	_ =	shalt  }
0x7f: {  	_ =	shalt  }
0x80: {  	_ =	shalt  }
0x81: {  	_ =	shalt  }
0x82: {  	_ =	shalt  }
0x83: {  	_ =	shalt  }
0x84: {  	_ =	shalt  }
0x85: {  	_ =	shalt  }
0x86: {  	_ =	shalt  }
0x87: {  	_ =	shalt  }
.Lfunc_end0:
.L_simem_size_0:
called_computation.1_lowered:
.L_overlay_start_0:
0x88: {  	s2 =	sld [smem:$0x3FD9]  }
0x89: {  	s3 =	sld [smem:$0x3FFE];
	_ =	sdelay $0x1  }
0x8a: {  	s1 =	srdreg.scid  }
0x8b: {  	s0 =	sand.u32 $0x1, s1  }
0x8c: {  	s17 =	sshll.u32 s0, $0xA;
	s2 =	sadd.s32 s3, s2  }
0x8d: {  	s2 =	sadd.s32 s2, s17  }
0x8e: {  	[smem:$0x3FAC] =	sst s2  }
0x8f: {  	_ = 	snop  }
0x90: {  	s2 =	sld [smem:$0x3FD0];
	(tm) =	ssettm $0x1  }
0x91: {  	s18 =	sld [smem:$0x3FFB];
	_ =	sdelay $0x3  }
0x92: {  	_ =	strace s18  }
0x93: {  	s3 =	sld [smem:$0x3FFC];
	_ =	sdelay $0x3  }
0x94: {  	_ =	strace s3  }
0x95: {  	s3 =	sld [smem:$0x3FFD];
	_ =	sdelay $0x3  }
0x96: {  	_ =	strace s3  }
0x97: {  	_ =	strace $0x8FFFFFFF  }
0x98: {  	s19 =	sld [smem:$0x3FDB];
	_ =	sdelay $0x1  }
0x99: {  	s4 =	simm.s32 $_scs_section_size  }
0x9a: {  	s5 =	simm.s32 $_size__tile_overlayer_lowered;
	s6 =	simm.s32 $_tile_overlayer_lowered  }
0x9b: {  	s22 =	simm.s32 $0x1BFF;
	s21 =	sshll.u32 s6, $0x1;
	s3 =	sadd.s32 s4, s19  }
0x9c: {  	s7 =	simm.s32 $0x0;
	s20 =	sshll.u32 s5, $0x1;
	s5 =	sadd.s32 s21, s3  }
0x9d: {  	[timem:s7], [sflag:s22] =	dma.local [hbm:s5], s20  }
0x9e: {  	_ =	swait.ge [sflag:s22], s20  }
0x9f: {  	s4 =	ssub.s32 $0x0, s20;
	[sflag:s22] =	ssyncset.done $0x0  }
0xa0: {  	[sflag:s22] =	ssyncadd.s32 s4;
	_ =	sdelay $0x1  }
0xa1: {  	s23 =	simm.s32 $0x1B8B  }
0xa2: {  	_ =	swait.ge [sflag:s23], $0x1  }
0xa3: {  	[sflag:s23] =	ssyncset.done $0x0  }
0xa4: {  	s25 =	simm.s32 $0x1B8E;
	s24 =	sld [smem:$0x3FFE];
	[sflag:s23] =	ssyncadd.s32 $0xFFFFFFFF  }
0xa5: {  	s26 =	simm.s32 $execute0_lowered;
	[smem:$0x3FD2] =	sst s25  }
0xa6: {  	s5 =	sshll.u32 s26, $0x1;
	_ =	strace $0x80000049;
	[dreg:$0x1] =	wrdreg $0xFFFFFFFF  }
0xa7: {  	s28 =	simm.s32 $_size_execute0_lowered;
	s3 =	sadd.s32 s3, s5;
	[dreg:$0x0] =	wrdreg $0x0  }
0xa8: {  	s5 =	sshll.u32 s28, $0x1;
	[dreg:$0x2] =	wrdreg s3  }
0xa9: {  	[dreg:$0x3] =	wrdreg s5  }
0xaa: {  	[dreg:$0x4] =	wrdreg $0xC0  }
0xab: {  	_ =	task [dreg:s7], $0x5FFFF  }
0xac: {  	[dreg:$0x1] =	wrdreg $0xFFFFFFFF  }
0xad: {  	[dreg:$0x0] =	wrdreg $0x60  }
0xae: {  	[dreg:$0x2] =	wrdreg s2  }
0xaf: {  	[dreg:$0x3] =	wrdreg s24  }
0xb0: {  	[dreg:$0x4] =	wrdreg $0x9  }
0xb1: {  	_ =	task.clear_ibuf [dreg:s7], $0x5FFFF;
	_ =	strace $0x90000049  }
0xb2: {  	s29 =	simm.s32 $0x9;
	_ =	strace $0x8000004B  }
0xb3: {  	_ =	swait.ge [sflag:s29], $0x1  }
0xb4: {  	[sflag:s29] =	ssyncadd.s32 $0xFFFFFFFF  }
0xb5: {  	_ =	strace $0x9000004B  }
0xb6: {  	_ =	sfence  }
0xb7: {  	s30 =	sld [smem:$0x0];
	_ =	sdelay $0x2  }
0xb8: {  	s31 =	sshll.u32 s1, $0xD;
	s1 =	sshrl.u32 s1, $0x2  }
0xb9: {  	s3 =	sand.u32 $0x4000, s31;
	s1 =	sadd.s32 s1, s30  }
0xba: {  	s0 =	sor.u32 s3, s0;
	s1 =	sshll.u32 s1, $0x11  }
0xbb: {  	s0 =	sor.u32 s1, s0  }
0xbc: {  	s0 =	sadd.s32 $0x8F2B, s0  }
0xbd: {  	[sflag:s0] =	ssyncadd.remote.s32 $0x1  }
0xbe: {  	_ =	sfence.sel $0xFFFF  }
0xbf: {  	[dreg:$0x0] =	wrdreg $0xFFFFFFFF;
	(pc) =	sbr.abs _section_cstart, $3  }
0xc0: {  	[dreg:$0x1] =	wrdreg $0xFFFFFFFF  }
0xc1: {  	_ =	task.clear_ibuf [dreg:s7], $0x2FFFF;
	_ =	strace $0x9FFFFFFF  }
0xc2: {  	(tm) =	ssettm $0x7FFFFFFF  }
0xc3: {  	_ =	shalt  }
tec
execute0_lowered:
.L_overlay_start_1:
0x0: {  	(tag) =	ssettag $0x1  }
0x1: {  	s1 =	srdreg.scid;
	s0 =	stileid.u32  }
0x2: {  	s2 =	rddreg [dreg:$0x0];
	s6 =	sand.u32 $0x1, s1;
	s30 =	sshll.u32 s0, $0x1  }
0x3: {  	s8 =	rddreg [dreg:$0x1];
	s7 =	sor.u32 s6, s30  }
0x4: {  	s3 =	simm.s32 $0x0;
	s1 =	rddreg [dreg:$0x2];
	s4 =	smul.u32 $0x30, s7  }
0x5: {  	[smem:$0x7FF] =	sst s3  }
0x6: {  	_ =	strace $0x8000004A;
	s10 =	ssub.s32 $0x2, s6;
	s4 =	sadd.s32 s4, s8  }
0x7: {  	s6 =	simm.s32 $0x180;
	s5 =	sadd.s32 $0x6600, s4;
	s4 =	simm.s32 $0x2  }
0x8: {  	[tilespmem:s3], [sflag:$0x2] =	stream.linear.gather [hbm4b:s5+s3], $0x180, $0x38;
	[tilespmem:$0xC180] =	vst v63  }
0x9: {  	s9 =	smul.u32 $0x1800, s7;
	s11 =	sshrl.u32 s10, $0x1;
	_ =	swait.ge [sflag:s4], $0x180  }
0xa: {  	s7 =	simm.s32 $0x1;
	s31 =	ssub.s32 s10, s11;
	[sflag:s4] =	ssyncset.done $0x0  }
0xb: {  	s8 =	sadd.s32 s9, s8;
	s9 =	smax.u32 s31, $0x1;
	[sflag:s4] =	ssyncadd.s32 $0xFFFFFE80  }
0xc: {  	[tilespmem:s6], [sflag:$0x1] =	stream.indirect.gather [hbm4b:s2+s6], $0x80, s3, s6, $0xb8;
	[tilespmem:$0xC180] =	vst v63  }
0xd: {  	p0 =	sne.s32 s9, $0x1;
	_ =	swait.ge [sflag:s7], $0xC000  }
.Ltmp0:
0xe: {  	[sflag:s7] =	ssyncset.done $0x0;
	(pc) =	sbr.rel @!p0 .LBB2_2-.Ltmp0, $4  }
0xf: {  	s8 =	sadd.s32 $0x6C00, s8;
	[sflag:s7] =	ssyncadd.s32 $0xFFFF4000  }
0x10: {  	[hbm4b:s8+s3] =	stream.linear.scatter [tilespmem:s6], [sflag:$0x2], $0xC000, $0x38;
	[tilespmem:$0xC180] =	vst v63  }
0x11: {  	_ =	swait.ge [sflag:s4], $0xC000  }
0x12: {  	s9 =	sadd.s32 $0xFFFFFFFF, s9;
	[sflag:s4] =	ssyncset.done $0x0  }
.LBB2_1:
0x13: {  	p0 =	sne.s32 s9, $0x1;
	s9 =	sadd.s32 $0xFFFFFFFF, s9;
	[sflag:s4] =	ssyncadd.s32 $0xFFFF4000  }
0x14: {  	[tilespmem:s3], [sflag:$0x2] =	stream.linear.gather [hbm4b:s5+s3], $0x180, $0x38;
	[tilespmem:$0xC180] =	vst v63  }
0x15: {  	_ =	swait.ge [sflag:s4], $0x180  }
0x16: {  	[sflag:s4] =	ssyncset.done $0x0  }
0x17: {  	[sflag:s4] =	ssyncadd.s32 $0xFFFFFE80  }
0x18: {  	[tilespmem:s6], [sflag:$0x1] =	stream.indirect.gather [hbm4b:s2+s6], $0x80, s3, s6, $0xb8;
	[tilespmem:$0xC180] =	vst v63  }
0x19: {  	_ =	swait.ge [sflag:s7], $0xC000  }
.Ltmp1:
0x1a: {  	[sflag:s7] =	ssyncset.done $0x0;
	(pc) =	sbr.rel @p0 .LBB2_1-.Ltmp1, $4  }
0x1b: {  	[sflag:s7] =	ssyncadd.s32 $0xFFFF4000  }
0x1c: {  	[hbm4b:s8+s3] =	stream.linear.scatter [tilespmem:s6], [sflag:$0x2], $0xC000, $0x38;
	[tilespmem:$0xC180] =	vst v63  }
0x1d: {  	_ =	swait.ge [sflag:s4], $0xC000  }
0x1e: {  	[sflag:s4] =	ssyncset.done $0x0  }
.LBB2_2:
0x1f: {  	[sflag:s4] =	ssyncadd.s32 $0xFFFF4000  }
0x20: {  	_ =	sfence.sel $0x180000  }
0x21: {  	[bflag:$0x0] =	sbarrier.arrive $0xFFFF  }
0x22: {  	p0 =	sne.s32 s0, $0x0;
	_ =	strace $0x9000004A  }
0x23: {  	s0 =	sadd.s32 @!p0 $0x100000, s1;
	[bflag:$0x2] =	sbarrier.arrive $0xFFFF  }
0x24: {  	[sflag:s0] =	ssyncadd.tile.s32 @!p0 $0x1;
	_ =	shalt  }
.Lfunc_end2:
_tile_overlayer_lowered:
.L_overlay_start_2:
0x25: {  	(tag) =	ssettag $0x2  }
0x26: {  	s0 =	rddreg [dreg:$0x0];
	s2 =	stileid.u32  }
0x27: {  	s1 =	rddreg [dreg:$0x1];
	p0 =	sne.s32 s2, $0x0  }
0x28: {  	s3 =	rddreg [dreg:$0x2];
	[bflag:$0x3] =	sbarrier.arrive $0xFFFF;
	s2 =	simm.s32 @!p0 $0x1C02  }
0x29: {  	[timem:s3], [sflag:s2] =	dma.local @!p0 [hbm:s0], s1  }
0x2a: {  	s0 =	simm.s32 @!p0 $0x2  }
0x2b: {  	_ =	swait.ge @!p0 [sflag:s0], s1  }
0x2c: {  	s1 =	ssub.s32 @!p0 $0x0, s1;
	[sflag:s0] =	ssyncset.done @!p0 $0x0  }
0x2d: {  	[sflag:s0] =	ssyncadd.s32 @!p0 s1  }
0x2e: {  	[bflag:$0x3] =	sbarrier.arrive $0xFFFF  }
0x2f: {  	_ =	shalt  }

// kernel: kernel.7.cloned.1.call-start
scs
__scs_entry_jumppad:
0x0: {  	(pc) =	sbr.rel $0x88, $3  }
0x1: {  	(tag) =	ssettag $0x0;
	lr =	simm.s32 $0x1  }
0x2: {  	[smem:$0x3F85] =	sst lr;
	_ =	strace $0xD0000000  }
0x3: {  	_ = 	snop  }
0x4: {  	_ = 	snop  }
0x5: {  	_ = 	snop  }
0x6: {  	_ = 	snop  }
0x7: {  	_ = 	snop  }
__scs_overlays_trampoline_lowered:
0x8: {  	[smem:$0x3F94] =	sst s0  }
0x9: {  	[smem:$0x3F95] =	sst s1  }
0xa: {  	[smem:$0x3F96] =	sst s2  }
0xb: {  	[smem:$0x3F97] =	sst s3  }
0xc: {  	[smem:$0x3F98] =	sst s4  }
0xd: {  	[smem:$0x3F99] =	sst s5  }
0xe: {  	[smem:$0x3F9A] =	sst s6  }
0xf: {  	[smem:$0x3F9B] =	sst s7  }
0x10: {  	[smem:$0x3F9C] =	sst s8  }
0x11: {  	[smem:$0x3F9D] =	sst s9;
	s0 =	simm.s32 @!p0 $0x0  }
0x12: {  	s1 =	sld [smem:$0x3F83];
	s0 =	simm.s32 @p0 $0x1  }
0x13: {  	[smem:$0x3F9E] =	sst s0;
	s0 =	simm.s32 @!p1 $0x0  }
0x14: {  	s2 =	sld [smem:$0x3F82];
	s0 =	simm.s32 @p1 $0x1  }
0x15: {  	[smem:$0x3F9F] =	sst s0;
	s0 =	simm.s32 @!p2 $0x0  }
0x16: {  	s3 =	sld [smem:$0x3FDB];
	s0 =	simm.s32 @p2 $0x1  }
0x17: {  	s4 =	simm.s32 $0x1BF5;
	[smem:$0x3FA1] =	sst s0  }
0x18: {  	s0 =	sld [smem:$0x3F84];
	_ =	swait.ge [sflag:s4], $0x0  }
0x19: {  	s7 =	sld [smem:$0x3F85]  }
0x1a: {  	s8 =	sadd.s32 $0xFFFFE003, lr  }
0x1b: {  	s9 =	sadd.s32 $0xFFFFFEF7, lr;
	s5 =	simm.s32 $0xFFFFFFFF;
	p2 =	slt.u32 s8, $0xFFFFF086  }
0x1c: {  	p1 =	slt.u32 s9, $0xF7A;
	s5 =	simm.s32 @!p2 $0x0  }
0x1d: {  	s5 =	simm.s32 @p1 $0x1;
	p0 =	seq.s32 s7, s2  }
0x1e: {  	s7 =	smul.u32 @!p0 $0xF7A, s2;
	p2 =	seq.s32 @!p0 s5, $0x0  }
0x1f: {  	s9 =	smul.u32 $0xF7A, s1;
	s8 =	simm.s32 @!p0 $0x1BF5;
	p2 =	por !p2, p0  }
0x20: {  	[sflag:s8] =	ssyncset.s32 @!p0 $0xFFFFF086;
	s6 =	sadd.s32 @!p0 s3, s7;
	s7 =	simm.s32 @!p0 $0x108  }
0x21: {  	s3 =	sadd.s32 s3, s9;
	s6 =	sadd.s32 @!p0 $0x88, s6;
	s7 =	simm.s32 @p2 $0x1082  }
0x22: {  	[simem:s7], [sflag:s8] =	dma.local @!p0 [hbm:s6], $0xF7A  }
0x23: {  	s9 =	sor.u32 $0xD0000000, s2;
	s6 =	simm.s32 $0x108;
	_ =	swait.ge @!p0 [sflag:s8], $0x0  }
0x24: {  	s3 =	sadd.s32 $0x88, s3;
	s6 =	simm.s32 @!p1 $0x1082;
	[sflag:s4] =	ssyncset.s32 $0xFFFFF086  }
0x25: {  	[simem:s6], [sflag:s4] =	dma.local [hbm:s3], $0xF7A  }
0x26: {  	[smem:$0x3F85] =	sst s1;
	(tag) =	ssettag s2;
	_ =	strace s9  }
0x27: {  	s1 =	sld [smem:$0x3F95]  }
0x28: {  	s2 =	sld [smem:$0x3F96]  }
0x29: {  	s4 =	sld [smem:$0x3F98]  }
0x2a: {  	p0 =	seq.s32 s5, $0x0;
	s5 =	sld [smem:$0x3F99]  }
0x2b: {  	s6 =	sld [smem:$0x3F9A]  }
0x2c: {  	s7 =	sld [smem:$0x3F9B]  }
0x2d: {  	s3 =	simm.s32 $0x108;
	s8 =	sld [smem:$0x3F9C]  }
0x2e: {  	s3 =	simm.s32 @!p0 $0x1082;
	s9 =	sld [smem:$0x3F9D]  }
0x2f: {  	lr =	sadd.s32 s0, s3;
	s0 =	sld [smem:$0x3F94]  }
0x30: {  	s3 =	sld [smem:$0x3F97]  }
0x31: {  	[smem:$0x3FA0] =	sst s10  }
0x32: {  	s10 =	sld [smem:$0x3F9E];
	_ =	sdelay $0x3  }
0x33: {  	p0 =	seq.s32 s10, $0x1;
	s10 =	sld [smem:$0x3FA0];
	_ =	sdelay $0x3  }
0x34: {  	[smem:$0x3FA0] =	sst s10  }
0x35: {  	s10 =	sld [smem:$0x3F9F];
	_ =	sdelay $0x3  }
0x36: {  	p1 =	seq.s32 s10, $0x1;
	s10 =	sld [smem:$0x3FA0];
	_ =	sdelay $0x3  }
0x37: {  	[smem:$0x3FA0] =	sst s10  }
0x38: {  	s10 =	sld [smem:$0x3FA1]  }
0x39: {  	_ = 	snop;
	(pc) =	sbr.ind lr, $3  }
0x3a: {  	_ = 	snop  }
0x3b: {  	_ = 	snop  }
0x3c: {  	p2 =	seq.s32 s10, $0x1;
	s10 =	sld [smem:$0x3FA0]  }
0x3d: {  	_ =	shalt  }
0x3e: {  	_ =	shalt  }
0x3f: {  	_ =	shalt  }
0x40: {  	_ =	shalt  }
0x41: {  	_ =	shalt  }
0x42: {  	_ =	shalt  }
0x43: {  	_ =	shalt  }
0x44: {  	_ =	shalt  }
0x45: {  	_ =	shalt  }
0x46: {  	_ =	shalt  }
0x47: {  	_ =	shalt  }
0x48: {  	_ =	shalt  }
0x49: {  	_ =	shalt  }
0x4a: {  	_ =	shalt  }
0x4b: {  	_ =	shalt  }
0x4c: {  	_ =	shalt  }
0x4d: {  	_ =	shalt  }
0x4e: {  	_ =	shalt  }
0x4f: {  	_ =	shalt  }
0x50: {  	_ =	shalt  }
0x51: {  	_ =	shalt  }
0x52: {  	_ =	shalt  }
0x53: {  	_ =	shalt  }
0x54: {  	_ =	shalt  }
0x55: {  	_ =	shalt  }
0x56: {  	_ =	shalt  }
0x57: {  	_ =	shalt  }
0x58: {  	_ =	shalt  }
0x59: {  	_ =	shalt  }
0x5a: {  	_ =	shalt  }
0x5b: {  	_ =	shalt  }
0x5c: {  	_ =	shalt  }
0x5d: {  	_ =	shalt  }
0x5e: {  	_ =	shalt  }
0x5f: {  	_ =	shalt  }
0x60: {  	_ =	shalt  }
0x61: {  	_ =	shalt  }
0x62: {  	_ =	shalt  }
0x63: {  	_ =	shalt  }
0x64: {  	_ =	shalt  }
0x65: {  	_ =	shalt  }
0x66: {  	_ =	shalt  }
0x67: {  	_ =	shalt  }
0x68: {  	_ =	shalt  }
0x69: {  	_ =	shalt  }
0x6a: {  	_ =	shalt  }
0x6b: {  	_ =	shalt  }
0x6c: {  	_ =	shalt  }
0x6d: {  	_ =	shalt  }
0x6e: {  	_ =	shalt  }
0x6f: {  	_ =	shalt  }
0x70: {  	_ =	shalt  }
0x71: {  	_ =	shalt  }
0x72: {  	_ =	shalt  }
0x73: {  	_ =	shalt  }
0x74: {  	_ =	shalt  }
0x75: {  	_ =	shalt  }
0x76: {  	_ =	shalt  }
0x77: {  	_ =	shalt  }
0x78: {  	_ =	shalt  }
0x79: {  	_ =	shalt  }
0x7a: {  	_ =	shalt  }
0x7b: {  	_ =	shalt  }
0x7c: {  	_ =	shalt  }
0x7d: {  	_ =	shalt  }
0x7e: {  	_ =	shalt  }
0x7f: {  	_ =	shalt  }
0x80: {  	_ =	shalt  }
0x81: {  	_ =	shalt  }
0x82: {  	_ =	shalt  }
0x83: {  	_ =	shalt  }
0x84: {  	_ =	shalt  }
0x85: {  	_ =	shalt  }
0x86: {  	_ =	shalt  }
0x87: {  	_ =	shalt  }
.Lfunc_end0:
.L_simem_size_0:
called_computation_lowered:
.L_overlay_start_0:
0x88: {  	s2 =	sld [smem:$0x3FD9]  }
0x89: {  	s3 =	sld [smem:$0x3FFE];
	_ =	sdelay $0x1  }
0x8a: {  	s1 =	srdreg.scid  }
0x8b: {  	s0 =	sand.u32 $0x1, s1  }
0x8c: {  	s16 =	sshll.u32 s0, $0xA;
	s2 =	sadd.s32 s3, s2  }
0x8d: {  	s2 =	sadd.s32 s2, s16  }
0x8e: {  	[smem:$0x3FAC] =	sst s2  }
0x8f: {  	_ = 	snop  }
0x90: {  	(tm) =	ssettm $0x1  }
0x91: {  	s17 =	sld [smem:$0x3FFB];
	_ =	sdelay $0x3  }
0x92: {  	_ =	strace s17  }
0x93: {  	s2 =	sld [smem:$0x3FFC];
	_ =	sdelay $0x3  }
0x94: {  	_ =	strace s2  }
0x95: {  	s2 =	sld [smem:$0x3FFD];
	_ =	sdelay $0x3  }
0x96: {  	_ =	strace s2  }
0x97: {  	_ =	strace $0x8FFFFFFF  }
0x98: {  	s18 =	sld [smem:$0x3FDB];
	_ =	sdelay $0x1  }
0x99: {  	s19 =	simm.s32 $_scs_section_size  }
0x9a: {  	s4 =	simm.s32 $_size__tile_overlayer_lowered;
	s5 =	simm.s32 $_tile_overlayer_lowered  }
0x9b: {  	s22 =	simm.s32 $0x1BFF;
	s21 =	sshll.u32 s5, $0x1;
	s2 =	sadd.s32 s19, s18  }
0x9c: {  	s6 =	simm.s32 $0x0;
	s20 =	sshll.u32 s4, $0x1;
	s4 =	sadd.s32 s21, s2  }
0x9d: {  	[timem:s6], [sflag:s22] =	dma.local [hbm:s4], s20  }
0x9e: {  	_ =	swait.ge [sflag:s22], s20  }
0x9f: {  	s3 =	ssub.s32 $0x0, s20;
	[sflag:s22] =	ssyncset.done $0x0  }
0xa0: {  	[sflag:s22] =	ssyncadd.s32 s3;
	_ =	sdelay $0x1  }
0xa1: {  	s23 =	simm.s32 $0x1B8B  }
0xa2: {  	_ =	swait.ge [sflag:s23], $0x1  }
0xa3: {  	[sflag:s23] =	ssyncset.done $0x0  }
0xa4: {  	s25 =	simm.s32 $0x1B8E;
	s24 =	sld [smem:$0x3FFE];
	[sflag:s23] =	ssyncadd.s32 $0xFFFFFFFF  }
0xa5: {  	s26 =	simm.s32 $execute0_lowered;
	[smem:$0x3FD2] =	sst s25  }
0xa6: {  	s4 =	sshll.u32 s26, $0x1;
	_ =	strace $0x80000046;
	[dreg:$0x1] =	wrdreg $0xFFFFFFFF  }
0xa7: {  	s28 =	simm.s32 $_size_execute0_lowered;
	s2 =	sadd.s32 s2, s4;
	[dreg:$0x0] =	wrdreg $0x0  }
0xa8: {  	s4 =	sshll.u32 s28, $0x1;
	[dreg:$0x2] =	wrdreg s2  }
0xa9: {  	[dreg:$0x3] =	wrdreg s4  }
0xaa: {  	[dreg:$0x4] =	wrdreg $0xC0  }
0xab: {  	_ =	task [dreg:s6], $0x5FFFF  }
0xac: {  	[dreg:$0x1] =	wrdreg $0xFFFFFFFF  }
0xad: {  	[dreg:$0x0] =	wrdreg $0x60  }
0xae: {  	[dreg:$0x2] =	wrdreg s24  }
0xaf: {  	[dreg:$0x3] =	wrdreg $0x9  }
0xb0: {  	_ =	task.clear_ibuf [dreg:s6], $0x4FFFF;
	_ =	strace $0x90000046  }
0xb1: {  	s29 =	simm.s32 $0x9;
	_ =	strace $0x80000048  }
0xb2: {  	_ =	swait.ge [sflag:s29], $0x1  }
0xb3: {  	[sflag:s29] =	ssyncadd.s32 $0xFFFFFFFF  }
0xb4: {  	_ =	strace $0x90000048  }
0xb5: {  	_ =	sfence  }
0xb6: {  	s30 =	sld [smem:$0x0];
	_ =	sdelay $0x2  }
0xb7: {  	s31 =	sshll.u32 s1, $0xD;
	s1 =	sshrl.u32 s1, $0x2  }
0xb8: {  	s3 =	sand.u32 $0x4000, s31;
	s1 =	sadd.s32 s1, s30  }
0xb9: {  	s0 =	sor.u32 s3, s0;
	s1 =	sshll.u32 s1, $0x11  }
0xba: {  	s0 =	sor.u32 s1, s0  }
0xbb: {  	s0 =	sadd.s32 $0x8F2B, s0  }
0xbc: {  	[sflag:s0] =	ssyncadd.remote.s32 $0x1  }
0xbd: {  	_ =	sfence.sel $0xFFFF  }
0xbe: {  	[dreg:$0x0] =	wrdreg $0xFFFFFFFF;
	(pc) =	sbr.abs _section_cstart, $3  }
0xbf: {  	[dreg:$0x1] =	wrdreg $0xFFFFFFFF  }
0xc0: {  	_ =	task.clear_ibuf [dreg:s6], $0x2FFFF;
	_ =	strace $0x9FFFFFFF  }
0xc1: {  	(tm) =	ssettm $0x7FFFFFFF  }
tec
execute0_lowered:
.L_overlay_start_1:
0x0: {  	(tag) =	ssettag $0x1  }
0x1: {  	s1 =	srdreg.scid;
	s0 =	stileid.u32  }
0x2: {  	s6 =	sand.u32 $0x1, s1;
	s30 =	sshll.u32 s0, $0x1  }
0x3: {  	s8 =	rddreg [dreg:$0x0];
	s7 =	sor.u32 s6, s30  }
0x4: {  	s2 =	simm.s32 $0x0;
	s1 =	rddreg [dreg:$0x1];
	s3 =	smul.u32 $0x30, s7  }
0x5: {  	[smem:$0x7FF] =	sst s2;
	s5 =	sadd.s32 $0x6600, s8  }
0x6: {  	_ =	strace $0x80000047;
	s10 =	ssub.s32 $0x2, s6;
	s3 =	sadd.s32 s3, s8  }
0x7: {  	s6 =	simm.s32 $0x180;
	s4 =	sadd.s32 $0x16600, s3;
	s3 =	simm.s32 $0x2  }
0x8: {  	[tilespmem:s2], [sflag:$0x2] =	stream.linear.gather [hbm4b:s4+s2], $0x180, $0x38;
	[tilespmem:$0xC180] =	vst v63  }
0x9: {  	s9 =	smul.u32 $0x1800, s7;
	s11 =	sshrl.u32 s10, $0x1;
	_ =	swait.ge [sflag:s3], $0x180  }
0xa: {  	s7 =	simm.s32 $0x1;
	s31 =	ssub.s32 s10, s11;
	[sflag:s3] =	ssyncset.done $0x0  }
0xb: {  	s8 =	sadd.s32 s9, s8;
	s9 =	smax.u32 s31, $0x1;
	[sflag:s3] =	ssyncadd.s32 $0xFFFFFE80  }
0xc: {  	[tilespmem:s6], [sflag:$0x1] =	stream.indirect.gather [hbm4b:s5+s6], $0x80, s2, s6, $0xb8;
	[tilespmem:$0xC180] =	vst v63  }
0xd: {  	p0 =	sne.s32 s9, $0x1;
	_ =	swait.ge [sflag:s7], $0xC000  }
.Ltmp0:
0xe: {  	[sflag:s7] =	ssyncset.done $0x0;
	(pc) =	sbr.rel @!p0 .LBB2_2-.Ltmp0, $4  }
0xf: {  	s8 =	sadd.s32 $0x16C00, s8;
	[sflag:s7] =	ssyncadd.s32 $0xFFFF4000  }
0x10: {  	[hbm4b:s8+s2] =	stream.linear.scatter [tilespmem:s6], [sflag:$0x2], $0xC000, $0x38;
	[tilespmem:$0xC180] =	vst v63  }
0x11: {  	_ =	swait.ge [sflag:s3], $0xC000  }
0x12: {  	s9 =	sadd.s32 $0xFFFFFFFF, s9;
	[sflag:s3] =	ssyncset.done $0x0  }
.LBB2_1:
0x13: {  	p0 =	sne.s32 s9, $0x1;
	s9 =	sadd.s32 $0xFFFFFFFF, s9;
	[sflag:s3] =	ssyncadd.s32 $0xFFFF4000  }
0x14: {  	[tilespmem:s2], [sflag:$0x2] =	stream.linear.gather [hbm4b:s4+s2], $0x180, $0x38;
	[tilespmem:$0xC180] =	vst v63  }
0x15: {  	_ =	swait.ge [sflag:s3], $0x180  }
0x16: {  	[sflag:s3] =	ssyncset.done $0x0  }
0x17: {  	[sflag:s3] =	ssyncadd.s32 $0xFFFFFE80  }
0x18: {  	[tilespmem:s6], [sflag:$0x1] =	stream.indirect.gather [hbm4b:s5+s6], $0x80, s2, s6, $0xb8;
	[tilespmem:$0xC180] =	vst v63  }
0x19: {  	_ =	swait.ge [sflag:s7], $0xC000  }
.Ltmp1:
0x1a: {  	[sflag:s7] =	ssyncset.done $0x0;
	(pc) =	sbr.rel @p0 .LBB2_1-.Ltmp1, $4  }
0x1b: {  	[sflag:s7] =	ssyncadd.s32 $0xFFFF4000  }
0x1c: {  	[hbm4b:s8+s2] =	stream.linear.scatter [tilespmem:s6], [sflag:$0x2], $0xC000, $0x38;
	[tilespmem:$0xC180] =	vst v63  }
0x1d: {  	_ =	swait.ge [sflag:s3], $0xC000  }
0x1e: {  	[sflag:s3] =	ssyncset.done $0x0  }
.LBB2_2:
0x1f: {  	[sflag:s3] =	ssyncadd.s32 $0xFFFF4000  }
0x20: {  	_ =	sfence.sel $0x180000  }
0x21: {  	[bflag:$0x0] =	sbarrier.arrive $0xFFFF  }
0x22: {  	p0 =	sne.s32 s0, $0x0;
	_ =	strace $0x90000047  }
0x23: {  	s0 =	sadd.s32 @!p0 $0x100000, s1;
	[bflag:$0x2] =	sbarrier.arrive $0xFFFF  }
0x24: {  	[sflag:s0] =	ssyncadd.tile.s32 @!p0 $0x1;
	_ =	shalt  }
.Lfunc_end2:
_tile_overlayer_lowered:
.L_overlay_start_2:
0x25: {  	(tag) =	ssettag $0x2  }
0x26: {  	s0 =	rddreg [dreg:$0x0];
	s2 =	stileid.u32  }
0x27: {  	s1 =	rddreg [dreg:$0x1];
	p0 =	sne.s32 s2, $0x0  }
0x28: {  	s3 =	rddreg [dreg:$0x2];
	[bflag:$0x3] =	sbarrier.arrive $0xFFFF;
	s2 =	simm.s32 @!p0 $0x1C02  }
0x29: {  	[timem:s3], [sflag:s2] =	dma.local @!p0 [hbm:s0], s1  }
0x2a: {  	s0 =	simm.s32 @!p0 $0x2  }
0x2b: {  	_ =	swait.ge @!p0 [sflag:s0], s1  }
0x2c: {  	s1 =	ssub.s32 @!p0 $0x0, s1;
	[sflag:s0] =	ssyncset.done @!p0 $0x0  }
0x2d: {  	[sflag:s0] =	ssyncadd.s32 @!p0 s1  }
0x2e: {  	[bflag:$0x3] =	sbarrier.arrive $0xFFFF  }
0x2f: {  	_ =	shalt  }

</sc_bundles>
